<compile_context>
chip_gen: v7x
topology: tpu7x:2x2x1
jax: 0.10.2.dev20260603
libtpu: 0.0.44.dev20260713+nightly
codegen_flags: <defaults>
</compile_context>

<pallas_src>
import jax
import jax.numpy as jnp
from jax import lax
from jax.experimental import pallas as pl
from jax.experimental.pallas import tpu as pltpu
from jax.experimental.pallas import tpu_sc as plsc

B = 16
L = 4096
D = 128
NC = 2
NS = 16
HALF = L // 2
REP = 64
REP_LOG2 = 6


def _body(x_hbm, table_hbm, out_hbm, xrow_v, table_v, const_v, sem):
    wid = lax.axis_index("s") * NC + lax.axis_index("c")
    b = wid >> 1
    h = wid & 1

    cp_t = pltpu.async_copy(table_hbm, table_v, sem)
    cp_x = pltpu.async_copy(x_hbm.at[b], xrow_v, sem)
    cp_t.wait()
    cp_x.wait()

    rowvecs = [
        [table_v[r, pl.ds(j * 16, 16)] for j in range(D // 16)]
        for r in range(3)
    ]
    lanes = lax.iota(jnp.int32, 16)
    big = jnp.full((16,), L, jnp.int32)

    def fused_step(i, carry):
        a4, a2 = carry
        for r in range(3):
            for j in range(D // 16):
                const_v[r * REP + i, pl.ds(j * 16, 16)] = rowvecs[r][j]
        for u in range(L // 16 // REP):
            c = i * (L // 16 // REP) + u
            v = xrow_v[pl.ds(c * 16, 16)]
            pos = lanes + c * 16
            a4 = jnp.minimum(a4, jnp.where(v == 4, pos, L))
            a2 = jnp.minimum(a2, jnp.where(v == 2, pos, L))
        return a4, a2

    a4, a2 = lax.fori_loop(0, REP, fused_step, (big, big))
    sep = jnp.min(a4)
    eos = jnp.min(a2)

    t0 = h * HALF
    t1 = t0 + HALF
    s = jnp.minimum(jnp.maximum(sep, t0), t1)
    e = jnp.minimum(jnp.maximum(eos, s), t1)

    def copy_run(rid, a0, a1):
        ln = a1 - a0

        def chunk(i, _):
            pltpu.async_copy(
                const_v.at[pl.ds(rid * REP, REP)],
                out_hbm.at[b, pl.ds(a0 + (i << REP_LOG2), REP)],
                sem,
            )
            return 0

        lax.fori_loop(0, ln >> REP_LOG2, chunk, 0)
        rem = ln & (REP - 1)
        base = a0 + (ln - rem)
        for bp in range(REP_LOG2 - 1, -1, -1):
            k = 1 << bp
            off = base + ((rem >> (bp + 1)) << (bp + 1))

            @pl.when(((rem >> bp) & 1) == 1)
            def _(k=k, off=off):
                pltpu.async_copy(
                    const_v.at[pl.ds(rid * REP, k)],
                    out_hbm.at[b, pl.ds(off, k)],
                    sem,
                )

    copy_run(1, t0, s)
    copy_run(2, s, e)
    copy_run(0, e, t1)

    span = out_hbm.at[b, pl.ds(t0, HALF)]
    pltpu.make_async_copy(span, span, sem).wait()


_sc_call = pl.kernel(
    _body,
    out_type=jax.ShapeDtypeStruct((B, L, D), jnp.float32),
    mesh=plsc.VectorSubcoreMesh(core_axis_name="c", subcore_axis_name="s"),
    compiler_params=pltpu.CompilerParams(
        use_tc_tiling_on_sc=False, needs_layout_passes=False, disable_bounds_checks=True
    ),
    scratch_types=[
        pltpu.VMEM((L,), jnp.int32),
        pltpu.VMEM((3, D), jnp.float32),
        pltpu.VMEM((3 * REP, D), jnp.float32),
        pltpu.SemaphoreType.DMA,
    ],
)


@jax.jit
def kernel(x, seg_table):
    return _sc_call(x, seg_table)

# --- scband reference (transcript-rebuilt; emitter-appended) ---
"""Pipeline reference for scband-segment-embedding-90280212562591 (READ-ONLY COPY).

The authoritative reference and input builder live on the scoring server;
editing this copy changes nothing except your own understanding.
"""

import jax, jax.numpy as jnp
import numpy as np

B = 16
L = 4096
D = 128

def setup_inputs(seed: int = 0) -> dict:
    key = jax.random.key(seed)
    k1, k2, k3, k4 = jax.random.split(key, 4)
    # base tokens avoid special ids 2 (EOS) and 4 (SEP)
    x = jax.random.randint(k1, (B, L), 5, 1000, dtype=jnp.int64 if jax.config.jax_enable_x64 else jnp.int32).astype(jnp.int32)
    sep_ix = jax.random.randint(k2, (B,), 128, L // 2, dtype=jnp.int32)
    eos_off = jax.random.randint(k3, (B,), 64, L // 2 - 1, dtype=jnp.int32)
    eos_ix = sep_ix + eos_off  # strictly after sep, < L
    rows = jnp.arange(B, dtype=jnp.int32)
    x = x.at[rows, sep_ix].set(4)
    x = x.at[rows, eos_ix].set(2)
    seg_table = jax.random.normal(k4, (3, D), dtype=jnp.float32) * 0.02
    return {"x": x, "seg_table": seg_table}

def reference(x, seg_table):
    # Faithful translation of SegmentEmbedding.forward assuming exactly one
    # SEP (id 4) and one EOS (id 2) per row, with EOS after SEP.
    # torch: sep_ix = column of token 4; eos_ix_rel = column of token 2 - sep_ix
    # segment = [1]*sep_ix ++ [2]*eos_ix_rel ++ [0]*(L - eos_col)
    sep_ix = jnp.argmax(x == 4, axis=1)  # (B,)
    eos_col = jnp.argmax(x == 2, axis=1)  # (B,)
    pos = jnp.arange(x.shape[1])[None, :]  # (1, L)
    segment_sequence = jnp.where(
        pos < sep_ix[:, None], 1,
        jnp.where(pos < eos_col[:, None], 2, 0)
    )  # (B, L) int
    # embedding lookup: table[segment]
    out = jnp.take(seg_table, segment_sequence, axis=0)  # (B, L, D)
    return out

if __name__ == "__main__":
    import jax
    _d = setup_inputs()
    print(jax.jit(kernel)(*tuple(_d.values())))

</pallas_src>

<mosaic_0001>
#map = affine_map<(d0, d1) -> (0, 0)>
#map1 = affine_map<(d0, d1) -> (0, 0, 0)>
module attributes {stable_mosaic.version = 14 : i64} {
  func.func @_body(%arg0: i32, %arg1: i32, %arg2: memref<16x4096xi32, #tpu.memory_space<hbm>>, %arg3: memref<3x128xf32, #tpu.memory_space<hbm>>, %arg4: memref<16x4096x128xf32, #tpu.memory_space<hbm>>, %arg5: memref<4096xi32, #tpu.memory_space<vmem>>, %arg6: memref<3x128xf32, #tpu.memory_space<vmem>>, %arg7: memref<192x128xf32, #tpu.memory_space<vmem>>, %arg8: memref<!tpu.dma_semaphore, #tpu.memory_space<semaphore_mem>>) attributes {dimension_semantics = [#tpu.dimension_semantics<core_parallel>, #tpu.dimension_semantics<subcore_parallel>], iteration_bounds = array<i64: 2, 16>, scalar_prefetch = 0 : i64, scratch_operands = 4 : i64, tpu.core_type = #tpu.core_type<sc_vector_subcore>, window_params = [{transform_indices = #map}, {transform_indices = #map}, {transform_indices = #map1}]} {
    %mul3A = arith.constant 2 : i32
    %mul3A_0 = arith.muli %arg1, %mul3A : i32
    %add3A = arith.addi %mul3A_0, %arg0 : i32
    %shift_right_arithmetic3A = arith.constant 1 : i32
    %shift_right_arithmetic3A_1 = arith.shrsi %add3A, %shift_right_arithmetic3A : i32
    %and3A = arith.constant 1 : i32
    %and3A_2 = arith.andi %add3A, %and3A : i32
    tpu.enqueue_dma source(%arg3 : memref<3x128xf32, #tpu.memory_space<hbm>>) target(%arg6 : memref<3x128xf32, #tpu.memory_space<vmem>>) target_semaphore(%arg8 : memref<!tpu.dma_semaphore, #tpu.memory_space<semaphore_mem>>)
    %dma_start3A = arith.constant 0 : i32
    %dma_start3A_3 = tpu.memref_slice %arg2[%shift_right_arithmetic3A_1, %dma_start3A] : memref<16x4096xi32, #tpu.memory_space<hbm>> -> memref<1x4096xi32, #tpu.memory_space<hbm>>
    %dma_start3A_4 = tpu.memref_squeeze %dma_start3A_3 : memref<1x4096xi32, #tpu.memory_space<hbm>> -> memref<4096xi32, #tpu.memory_space<hbm>>
    %dma_start3A_5 = arith.constant 0 : i32
    %dma_start3A_6 = tpu.memref_slice %arg2[%shift_right_arithmetic3A_1, %dma_start3A_5] : memref<16x4096xi32, #tpu.memory_space<hbm>> -> memref<1x4096xi32, #tpu.memory_space<hbm>>
    %dma_start3A_7 = tpu.memref_squeeze %dma_start3A_6 : memref<1x4096xi32, #tpu.memory_space<hbm>> -> memref<4096xi32, #tpu.memory_space<hbm>>
    tpu.enqueue_dma source(%dma_start3A_7 : memref<4096xi32, #tpu.memory_space<hbm>>) target(%arg5 : memref<4096xi32, #tpu.memory_space<vmem>>) target_semaphore(%arg8 : memref<!tpu.dma_semaphore, #tpu.memory_space<semaphore_mem>>)
    tpu.wait_dma2 semaphore(%arg8 : memref<!tpu.dma_semaphore, #tpu.memory_space<semaphore_mem>>) src(%arg3 : memref<3x128xf32, #tpu.memory_space<hbm>>) dst(%arg6 : memref<3x128xf32, #tpu.memory_space<vmem>>)
    %dma_wait3A = arith.constant 0 : i32
    %dma_wait3A_8 = tpu.memref_slice %arg2[%shift_right_arithmetic3A_1, %dma_wait3A] : memref<16x4096xi32, #tpu.memory_space<hbm>> -> memref<1x4096xi32, #tpu.memory_space<hbm>>
    %dma_wait3A_9 = tpu.memref_squeeze %dma_wait3A_8 : memref<1x4096xi32, #tpu.memory_space<hbm>> -> memref<4096xi32, #tpu.memory_space<hbm>>
    %dma_wait3A_10 = arith.constant 0 : i32
    %dma_wait3A_11 = tpu.memref_slice %arg2[%shift_right_arithmetic3A_1, %dma_wait3A_10] : memref<16x4096xi32, #tpu.memory_space<hbm>> -> memref<1x4096xi32, #tpu.memory_space<hbm>>
    %dma_wait3A_12 = tpu.memref_squeeze %dma_wait3A_11 : memref<1x4096xi32, #tpu.memory_space<hbm>> -> memref<4096xi32, #tpu.memory_space<hbm>>
    tpu.wait_dma2 semaphore(%arg8 : memref<!tpu.dma_semaphore, #tpu.memory_space<semaphore_mem>>) src(%dma_wait3A_12 : memref<4096xi32, #tpu.memory_space<hbm>>) dst(%arg5 : memref<4096xi32, #tpu.memory_space<vmem>>)
    %get3A = arith.constant 0 : i32
    %get3A_13 = arith.index_cast %get3A : i32 to index
    %get3A_14 = arith.constant 0 : index
    %get3A_15 = tpu.vector_load %arg6[%get3A_13, %get3A_14] {strides = array<i32>} : memref<3x128xf32, #tpu.memory_space<vmem>>, vector<16xf32>,
    %get3A_16 = arith.constant 0 : i32
    %get3A_17 = arith.index_cast %get3A_16 : i32 to index
    %get3A_18 = arith.constant 16 : index
    %get3A_19 = tpu.vector_load %arg6[%get3A_17, %get3A_18] {strides = array<i32>} : memref<3x128xf32, #tpu.memory_space<vmem>>, vector<16xf32>,
    %get3A_20 = arith.constant 0 : i32
    %get3A_21 = arith.index_cast %get3A_20 : i32 to index
    %get3A_22 = arith.constant 32 : index
    %get3A_23 = tpu.vector_load %arg6[%get3A_21, %get3A_22] {strides = array<i32>} : memref<3x128xf32, #tpu.memory_space<vmem>>, vector<16xf32>,
    %get3A_24 = arith.constant 0 : i32
    %get3A_25 = arith.index_cast %get3A_24 : i32 to index
    %get3A_26 = arith.constant 48 : index
    %get3A_27 = tpu.vector_load %arg6[%get3A_25, %get3A_26] {strides = array<i32>} : memref<3x128xf32, #tpu.memory_space<vmem>>, vector<16xf32>,
    %get3A_28 = arith.constant 0 : i32
    %get3A_29 = arith.index_cast %get3A_28 : i32 to index
    %get3A_30 = arith.constant 64 : index
    %get3A_31 = tpu.vector_load %arg6[%get3A_29, %get3A_30] {strides = array<i32>} : memref<3x128xf32, #tpu.memory_space<vmem>>, vector<16xf32>,
    %get3A_32 = arith.constant 0 : i32
    %get3A_33 = arith.index_cast %get3A_32 : i32 to index
    %get3A_34 = arith.constant 80 : index
    %get3A_35 = tpu.vector_load %arg6[%get3A_33, %get3A_34] {strides = array<i32>} : memref<3x128xf32, #tpu.memory_space<vmem>>, vector<16xf32>,
    %get3A_36 = arith.constant 0 : i32
    %get3A_37 = arith.index_cast %get3A_36 : i32 to index
    %get3A_38 = arith.constant 96 : index
    %get3A_39 = tpu.vector_load %arg6[%get3A_37, %get3A_38] {strides = array<i32>} : memref<3x128xf32, #tpu.memory_space<vmem>>, vector<16xf32>,
    %get3A_40 = arith.constant 0 : i32
    %get3A_41 = arith.index_cast %get3A_40 : i32 to index
    %get3A_42 = arith.constant 112 : index
    %get3A_43 = tpu.vector_load %arg6[%get3A_41, %get3A_42] {strides = array<i32>} : memref<3x128xf32, #tpu.memory_space<vmem>>, vector<16xf32>,
    %get3A_44 = arith.constant 1 : i32
    %get3A_45 = arith.index_cast %get3A_44 : i32 to index
    %get3A_46 = arith.constant 0 : index
    %get3A_47 = tpu.vector_load %arg6[%get3A_45, %get3A_46] {strides = array<i32>} : memref<3x128xf32, #tpu.memory_space<vmem>>, vector<16xf32>,
    %get3A_48 = arith.constant 1 : i32
    %get3A_49 = arith.index_cast %get3A_48 : i32 to index
    %get3A_50 = arith.constant 16 : index
    %get3A_51 = tpu.vector_load %arg6[%get3A_49, %get3A_50] {strides = array<i32>} : memref<3x128xf32, #tpu.memory_space<vmem>>, vector<16xf32>,
    %get3A_52 = arith.constant 1 : i32
    %get3A_53 = arith.index_cast %get3A_52 : i32 to index
    %get3A_54 = arith.constant 32 : index
    %get3A_55 = tpu.vector_load %arg6[%get3A_53, %get3A_54] {strides = array<i32>} : memref<3x128xf32, #tpu.memory_space<vmem>>, vector<16xf32>,
    %get3A_56 = arith.constant 1 : i32
    %get3A_57 = arith.index_cast %get3A_56 : i32 to index
    %get3A_58 = arith.constant 48 : index
    %get3A_59 = tpu.vector_load %arg6[%get3A_57, %get3A_58] {strides = array<i32>} : memref<3x128xf32, #tpu.memory_space<vmem>>, vector<16xf32>,
    %get3A_60 = arith.constant 1 : i32
    %get3A_61 = arith.index_cast %get3A_60 : i32 to index
    %get3A_62 = arith.constant 64 : index
    %get3A_63 = tpu.vector_load %arg6[%get3A_61, %get3A_62] {strides = array<i32>} : memref<3x128xf32, #tpu.memory_space<vmem>>, vector<16xf32>,
    %get3A_64 = arith.constant 1 : i32
    %get3A_65 = arith.index_cast %get3A_64 : i32 to index
    %get3A_66 = arith.constant 80 : index
    %get3A_67 = tpu.vector_load %arg6[%get3A_65, %get3A_66] {strides = array<i32>} : memref<3x128xf32, #tpu.memory_space<vmem>>, vector<16xf32>,
    %get3A_68 = arith.constant 1 : i32
    %get3A_69 = arith.index_cast %get3A_68 : i32 to index
    %get3A_70 = arith.constant 96 : index
    %get3A_71 = tpu.vector_load %arg6[%get3A_69, %get3A_70] {strides = array<i32>} : memref<3x128xf32, #tpu.memory_space<vmem>>, vector<16xf32>,
    %get3A_72 = arith.constant 1 : i32
    %get3A_73 = arith.index_cast %get3A_72 : i32 to index
    %get3A_74 = arith.constant 112 : index
    %get3A_75 = tpu.vector_load %arg6[%get3A_73, %get3A_74] {strides = array<i32>} : memref<3x128xf32, #tpu.memory_space<vmem>>, vector<16xf32>,
    %get3A_76 = arith.constant 2 : i32
    %get3A_77 = arith.index_cast %get3A_76 : i32 to index
    %get3A_78 = arith.constant 0 : index
    %get3A_79 = tpu.vector_load %arg6[%get3A_77, %get3A_78] {strides = array<i32>} : memref<3x128xf32, #tpu.memory_space<vmem>>, vector<16xf32>,
    %get3A_80 = arith.constant 2 : i32
    %get3A_81 = arith.index_cast %get3A_80 : i32 to index
    %get3A_82 = arith.constant 16 : index
    %get3A_83 = tpu.vector_load %arg6[%get3A_81, %get3A_82] {strides = array<i32>} : memref<3x128xf32, #tpu.memory_space<vmem>>, vector<16xf32>,
    %get3A_84 = arith.constant 2 : i32
    %get3A_85 = arith.index_cast %get3A_84 : i32 to index
    %get3A_86 = arith.constant 32 : index
    %get3A_87 = tpu.vector_load %arg6[%get3A_85, %get3A_86] {strides = array<i32>} : memref<3x128xf32, #tpu.memory_space<vmem>>, vector<16xf32>,
    %get3A_88 = arith.constant 2 : i32
    %get3A_89 = arith.index_cast %get3A_88 : i32 to index
    %get3A_90 = arith.constant 48 : index
    %get3A_91 = tpu.vector_load %arg6[%get3A_89, %get3A_90] {strides = array<i32>} : memref<3x128xf32, #tpu.memory_space<vmem>>, vector<16xf32>,
    %get3A_92 = arith.constant 2 : i32
    %get3A_93 = arith.index_cast %get3A_92 : i32 to index
    %get3A_94 = arith.constant 64 : index
    %get3A_95 = tpu.vector_load %arg6[%get3A_93, %get3A_94] {strides = array<i32>} : memref<3x128xf32, #tpu.memory_space<vmem>>, vector<16xf32>,
    %get3A_96 = arith.constant 2 : i32
    %get3A_97 = arith.index_cast %get3A_96 : i32 to index
    %get3A_98 = arith.constant 80 : index
    %get3A_99 = tpu.vector_load %arg6[%get3A_97, %get3A_98] {strides = array<i32>} : memref<3x128xf32, #tpu.memory_space<vmem>>, vector<16xf32>,
    %get3A_100 = arith.constant 2 : i32
    %get3A_101 = arith.index_cast %get3A_100 : i32 to index
    %get3A_102 = arith.constant 96 : index
    %get3A_103 = tpu.vector_load %arg6[%get3A_101, %get3A_102] {strides = array<i32>} : memref<3x128xf32, #tpu.memory_space<vmem>>, vector<16xf32>,
    %get3A_104 = arith.constant 2 : i32
    %get3A_105 = arith.index_cast %get3A_104 : i32 to index
    %get3A_106 = arith.constant 112 : index
    %get3A_107 = tpu.vector_load %arg6[%get3A_105, %get3A_106] {strides = array<i32>} : memref<3x128xf32, #tpu.memory_space<vmem>>, vector<16xf32>,
    %iota3A = tpu.iota {dimensions = array<i32: 0>} : vector<16xi32>
    %broadcast_in_dim3A = arith.constant 4096 : i32
    %broadcast_in_dim3A_108 = vector.broadcast %broadcast_in_dim3A : i32 to vector<16xi32>
    %scan3A = arith.constant 0 : i32
    %scan3A_109 = arith.constant 64 : i32
    %scan3A_110 = arith.addi %scan3A, %scan3A_109 : i32
    %scan3A_111 = arith.constant 1 : i32
    %scan3A_112:2 = scf.for %scan3A_444 = %scan3A to %scan3A_110 step %scan3A_111 iter_args(%scan3A_445 = %broadcast_in_dim3A_108, %scan3A_446 = %broadcast_in_dim3A_108) -> (vector<16xi32>, vector<16xi32>)  : i32 {
      %add3A_447 = arith.constant 0 : i32
      %add3A_448 = arith.addi %add3A_447, %scan3A_444 : i32
      %swap3A = arith.index_cast %add3A_448 : i32 to index
      %swap3A_449 = arith.constant 0 : index
      %swap3A_450 = tpu.vector_load %arg7[%swap3A, %swap3A_449] {strides = array<i32>} : memref<192x128xf32, #tpu.memory_space<vmem>>, vector<16xf32>,
      tpu.vector_store %arg7[%swap3A, %swap3A_449], %get3A_15 {strides = array<i32>} : memref<192x128xf32, #tpu.memory_space<vmem>>, vector<16xf32>,
      %add3A_451 = arith.constant 0 : i32
      %add3A_452 = arith.addi %add3A_451, %scan3A_444 : i32
      %swap3A_453 = arith.index_cast %add3A_452 : i32 to index
      %swap3A_454 = arith.constant 16 : index
      %swap3A_455 = tpu.vector_load %arg7[%swap3A_453, %swap3A_454] {strides = array<i32>} : memref<192x128xf32, #tpu.memory_space<vmem>>, vector<16xf32>,
      tpu.vector_store %arg7[%swap3A_453, %swap3A_454], %get3A_19 {strides = array<i32>} : memref<192x128xf32, #tpu.memory_space<vmem>>, vector<16xf32>,
      %add3A_456 = arith.constant 0 : i32
      %add3A_457 = arith.addi %add3A_456, %scan3A_444 : i32
      %swap3A_458 = arith.index_cast %add3A_457 : i32 to index
      %swap3A_459 = arith.constant 32 : index
      %swap3A_460 = tpu.vector_load %arg7[%swap3A_458, %swap3A_459] {strides = array<i32>} : memref<192x128xf32, #tpu.memory_space<vmem>>, vector<16xf32>,
      tpu.vector_store %arg7[%swap3A_458, %swap3A_459], %get3A_23 {strides = array<i32>} : memref<192x128xf32, #tpu.memory_space<vmem>>, vector<16xf32>,
      %add3A_461 = arith.constant 0 : i32
      %add3A_462 = arith.addi %add3A_461, %scan3A_444 : i32
      %swap3A_463 = arith.index_cast %add3A_462 : i32 to index
      %swap3A_464 = arith.constant 48 : index
      %swap3A_465 = tpu.vector_load %arg7[%swap3A_463, %swap3A_464] {strides = array<i32>} : memref<192x128xf32, #tpu.memory_space<vmem>>, vector<16xf32>,
      tpu.vector_store %arg7[%swap3A_463, %swap3A_464], %get3A_27 {strides = array<i32>} : memref<192x128xf32, #tpu.memory_space<vmem>>, vector<16xf32>,
      %add3A_466 = arith.constant 0 : i32
      %add3A_467 = arith.addi %add3A_466, %scan3A_444 : i32
      %swap3A_468 = arith.index_cast %add3A_467 : i32 to index
      %swap3A_469 = arith.constant 64 : index
      %swap3A_470 = tpu.vector_load %arg7[%swap3A_468, %swap3A_469] {strides = array<i32>} : memref<192x128xf32, #tpu.memory_space<vmem>>, vector<16xf32>,
      tpu.vector_store %arg7[%swap3A_468, %swap3A_469], %get3A_31 {strides = array<i32>} : memref<192x128xf32, #tpu.memory_space<vmem>>, vector<16xf32>,
      %add3A_471 = arith.constant 0 : i32
      %add3A_472 = arith.addi %add3A_471, %scan3A_444 : i32
      %swap3A_473 = arith.index_cast %add3A_472 : i32 to index
      %swap3A_474 = arith.constant 80 : index
      %swap3A_475 = tpu.vector_load %arg7[%swap3A_473, %swap3A_474] {strides = array<i32>} : memref<192x128xf32, #tpu.memory_space<vmem>>, vector<16xf32>,
      tpu.vector_store %arg7[%swap3A_473, %swap3A_474], %get3A_35 {strides = array<i32>} : memref<192x128xf32, #tpu.memory_space<vmem>>, vector<16xf32>,
      %add3A_476 = arith.constant 0 : i32
      %add3A_477 = arith.addi %add3A_476, %scan3A_444 : i32
      %swap3A_478 = arith.index_cast %add3A_477 : i32 to index
      %swap3A_479 = arith.constant 96 : index
      %swap3A_480 = tpu.vector_load %arg7[%swap3A_478, %swap3A_479] {strides = array<i32>} : memref<192x128xf32, #tpu.memory_space<vmem>>, vector<16xf32>,
      tpu.vector_store %arg7[%swap3A_478, %swap3A_479], %get3A_39 {strides = array<i32>} : memref<192x128xf32, #tpu.memory_space<vmem>>, vector<16xf32>,
      %add3A_481 = arith.constant 0 : i32
      %add3A_482 = arith.addi %add3A_481, %scan3A_444 : i32
      %swap3A_483 = arith.index_cast %add3A_482 : i32 to index
      %swap3A_484 = arith.constant 112 : index
      %swap3A_485 = tpu.vector_load %arg7[%swap3A_483, %swap3A_484] {strides = array<i32>} : memref<192x128xf32, #tpu.memory_space<vmem>>, vector<16xf32>,
      tpu.vector_store %arg7[%swap3A_483, %swap3A_484], %get3A_43 {strides = array<i32>} : memref<192x128xf32, #tpu.memory_space<vmem>>, vector<16xf32>,
      %add3A_486 = arith.constant 64 : i32
      %add3A_487 = arith.addi %add3A_486, %scan3A_444 : i32
      %swap3A_488 = arith.index_cast %add3A_487 : i32 to index
      %swap3A_489 = arith.constant 0 : index
      %swap3A_490 = tpu.vector_load %arg7[%swap3A_488, %swap3A_489] {strides = array<i32>} : memref<192x128xf32, #tpu.memory_space<vmem>>, vector<16xf32>,
      tpu.vector_store %arg7[%swap3A_488, %swap3A_489], %get3A_47 {strides = array<i32>} : memref<192x128xf32, #tpu.memory_space<vmem>>, vector<16xf32>,
      %add3A_491 = arith.constant 64 : i32
      %add3A_492 = arith.addi %add3A_491, %scan3A_444 : i32
      %swap3A_493 = arith.index_cast %add3A_492 : i32 to index
      %swap3A_494 = arith.constant 16 : index
      %swap3A_495 = tpu.vector_load %arg7[%swap3A_493, %swap3A_494] {strides = array<i32>} : memref<192x128xf32, #tpu.memory_space<vmem>>, vector<16xf32>,
      tpu.vector_store %arg7[%swap3A_493, %swap3A_494], %get3A_51 {strides = array<i32>} : memref<192x128xf32, #tpu.memory_space<vmem>>, vector<16xf32>,
      %add3A_496 = arith.constant 64 : i32
      %add3A_497 = arith.addi %add3A_496, %scan3A_444 : i32
      %swap3A_498 = arith.index_cast %add3A_497 : i32 to index
      %swap3A_499 = arith.constant 32 : index
      %swap3A_500 = tpu.vector_load %arg7[%swap3A_498, %swap3A_499] {strides = array<i32>} : memref<192x128xf32, #tpu.memory_space<vmem>>, vector<16xf32>,
      tpu.vector_store %arg7[%swap3A_498, %swap3A_499], %get3A_55 {strides = array<i32>} : memref<192x128xf32, #tpu.memory_space<vmem>>, vector<16xf32>,
      %add3A_501 = arith.constant 64 : i32
      %add3A_502 = arith.addi %add3A_501, %scan3A_444 : i32
      %swap3A_503 = arith.index_cast %add3A_502 : i32 to index
      %swap3A_504 = arith.constant 48 : index
      %swap3A_505 = tpu.vector_load %arg7[%swap3A_503, %swap3A_504] {strides = array<i32>} : memref<192x128xf32, #tpu.memory_space<vmem>>, vector<16xf32>,
      tpu.vector_store %arg7[%swap3A_503, %swap3A_504], %get3A_59 {strides = array<i32>} : memref<192x128xf32, #tpu.memory_space<vmem>>, vector<16xf32>,
      %add3A_506 = arith.constant 64 : i32
      %add3A_507 = arith.addi %add3A_506, %scan3A_444 : i32
      %swap3A_508 = arith.index_cast %add3A_507 : i32 to index
      %swap3A_509 = arith.constant 64 : index
      %swap3A_510 = tpu.vector_load %arg7[%swap3A_508, %swap3A_509] {strides = array<i32>} : memref<192x128xf32, #tpu.memory_space<vmem>>, vector<16xf32>,
      tpu.vector_store %arg7[%swap3A_508, %swap3A_509], %get3A_63 {strides = array<i32>} : memref<192x128xf32, #tpu.memory_space<vmem>>, vector<16xf32>,
      %add3A_511 = arith.constant 64 : i32
      %add3A_512 = arith.addi %add3A_511, %scan3A_444 : i32
      %swap3A_513 = arith.index_cast %add3A_512 : i32 to index
      %swap3A_514 = arith.constant 80 : index
      %swap3A_515 = tpu.vector_load %arg7[%swap3A_513, %swap3A_514] {strides = array<i32>} : memref<192x128xf32, #tpu.memory_space<vmem>>, vector<16xf32>,
      tpu.vector_store %arg7[%swap3A_513, %swap3A_514], %get3A_67 {strides = array<i32>} : memref<192x128xf32, #tpu.memory_space<vmem>>, vector<16xf32>,
      %add3A_516 = arith.constant 64 : i32
      %add3A_517 = arith.addi %add3A_516, %scan3A_444 : i32
      %swap3A_518 = arith.index_cast %add3A_517 : i32 to index
      %swap3A_519 = arith.constant 96 : index
      %swap3A_520 = tpu.vector_load %arg7[%swap3A_518, %swap3A_519] {strides = array<i32>} : memref<192x128xf32, #tpu.memory_space<vmem>>, vector<16xf32>,
      tpu.vector_store %arg7[%swap3A_518, %swap3A_519], %get3A_71 {strides = array<i32>} : memref<192x128xf32, #tpu.memory_space<vmem>>, vector<16xf32>,
      %add3A_521 = arith.constant 64 : i32
      %add3A_522 = arith.addi %add3A_521, %scan3A_444 : i32
      %swap3A_523 = arith.index_cast %add3A_522 : i32 to index
      %swap3A_524 = arith.constant 112 : index
      %swap3A_525 = tpu.vector_load %arg7[%swap3A_523, %swap3A_524] {strides = array<i32>} : memref<192x128xf32, #tpu.memory_space<vmem>>, vector<16xf32>,
      tpu.vector_store %arg7[%swap3A_523, %swap3A_524], %get3A_75 {strides = array<i32>} : memref<192x128xf32, #tpu.memory_space<vmem>>, vector<16xf32>,
      %add3A_526 = arith.constant 128 : i32
      %add3A_527 = arith.addi %add3A_526, %scan3A_444 : i32
      %swap3A_528 = arith.index_cast %add3A_527 : i32 to index
      %swap3A_529 = arith.constant 0 : index
      %swap3A_530 = tpu.vector_load %arg7[%swap3A_528, %swap3A_529] {strides = array<i32>} : memref<192x128xf32, #tpu.memory_space<vmem>>, vector<16xf32>,
      tpu.vector_store %arg7[%swap3A_528, %swap3A_529], %get3A_79 {strides = array<i32>} : memref<192x128xf32, #tpu.memory_space<vmem>>, vector<16xf32>,
      %add3A_531 = arith.constant 128 : i32
      %add3A_532 = arith.addi %add3A_531, %scan3A_444 : i32
      %swap3A_533 = arith.index_cast %add3A_532 : i32 to index
      %swap3A_534 = arith.constant 16 : index
      %swap3A_535 = tpu.vector_load %arg7[%swap3A_533, %swap3A_534] {strides = array<i32>} : memref<192x128xf32, #tpu.memory_space<vmem>>, vector<16xf32>,
      tpu.vector_store %arg7[%swap3A_533, %swap3A_534], %get3A_83 {strides = array<i32>} : memref<192x128xf32, #tpu.memory_space<vmem>>, vector<16xf32>,
      %add3A_536 = arith.constant 128 : i32
      %add3A_537 = arith.addi %add3A_536, %scan3A_444 : i32
      %swap3A_538 = arith.index_cast %add3A_537 : i32 to index
      %swap3A_539 = arith.constant 32 : index
      %swap3A_540 = tpu.vector_load %arg7[%swap3A_538, %swap3A_539] {strides = array<i32>} : memref<192x128xf32, #tpu.memory_space<vmem>>, vector<16xf32>,
      tpu.vector_store %arg7[%swap3A_538, %swap3A_539], %get3A_87 {strides = array<i32>} : memref<192x128xf32, #tpu.memory_space<vmem>>, vector<16xf32>,
      %add3A_541 = arith.constant 128 : i32
      %add3A_542 = arith.addi %add3A_541, %scan3A_444 : i32
      %swap3A_543 = arith.index_cast %add3A_542 : i32 to index
      %swap3A_544 = arith.constant 48 : index
      %swap3A_545 = tpu.vector_load %arg7[%swap3A_543, %swap3A_544] {strides = array<i32>} : memref<192x128xf32, #tpu.memory_space<vmem>>, vector<16xf32>,
      tpu.vector_store %arg7[%swap3A_543, %swap3A_544], %get3A_91 {strides = array<i32>} : memref<192x128xf32, #tpu.memory_space<vmem>>, vector<16xf32>,
      %add3A_546 = arith.constant 128 : i32
      %add3A_547 = arith.addi %add3A_546, %scan3A_444 : i32
      %swap3A_548 = arith.index_cast %add3A_547 : i32 to index
      %swap3A_549 = arith.constant 64 : index
      %swap3A_550 = tpu.vector_load %arg7[%swap3A_548, %swap3A_549] {strides = array<i32>} : memref<192x128xf32, #tpu.memory_space<vmem>>, vector<16xf32>,
      tpu.vector_store %arg7[%swap3A_548, %swap3A_549], %get3A_95 {strides = array<i32>} : memref<192x128xf32, #tpu.memory_space<vmem>>, vector<16xf32>,
      %add3A_551 = arith.constant 128 : i32
      %add3A_552 = arith.addi %add3A_551, %scan3A_444 : i32
      %swap3A_553 = arith.index_cast %add3A_552 : i32 to index
      %swap3A_554 = arith.constant 80 : index
      %swap3A_555 = tpu.vector_load %arg7[%swap3A_553, %swap3A_554] {strides = array<i32>} : memref<192x128xf32, #tpu.memory_space<vmem>>, vector<16xf32>,
      tpu.vector_store %arg7[%swap3A_553, %swap3A_554], %get3A_99 {strides = array<i32>} : memref<192x128xf32, #tpu.memory_space<vmem>>, vector<16xf32>,
      %add3A_556 = arith.constant 128 : i32
      %add3A_557 = arith.addi %add3A_556, %scan3A_444 : i32
      %swap3A_558 = arith.index_cast %add3A_557 : i32 to index
      %swap3A_559 = arith.constant 96 : index
      %swap3A_560 = tpu.vector_load %arg7[%swap3A_558, %swap3A_559] {strides = array<i32>} : memref<192x128xf32, #tpu.memory_space<vmem>>, vector<16xf32>,
      tpu.vector_store %arg7[%swap3A_558, %swap3A_559], %get3A_103 {strides = array<i32>} : memref<192x128xf32, #tpu.memory_space<vmem>>, vector<16xf32>,
      %add3A_561 = arith.constant 128 : i32
      %add3A_562 = arith.addi %add3A_561, %scan3A_444 : i32
      %swap3A_563 = arith.index_cast %add3A_562 : i32 to index
      %swap3A_564 = arith.constant 112 : index
      %swap3A_565 = tpu.vector_load %arg7[%swap3A_563, %swap3A_564] {strides = array<i32>} : memref<192x128xf32, #tpu.memory_space<vmem>>, vector<16xf32>,
      tpu.vector_store %arg7[%swap3A_563, %swap3A_564], %get3A_107 {strides = array<i32>} : memref<192x128xf32, #tpu.memory_space<vmem>>, vector<16xf32>,
      %mul3A_566 = arith.constant 4 : i32
      %mul3A_567 = arith.muli %scan3A_444, %mul3A_566 : i32
      %add3A_568 = arith.constant 0 : i32
      %add3A_569 = arith.addi %mul3A_567, %add3A_568 : i32
      %mul3A_570 = arith.constant 16 : i32
      %mul3A_571 = arith.muli %add3A_569, %mul3A_570 : i32
      %get3A_572 = arith.index_cast %mul3A_571 : i32 to index
      %get3A_573 = tpu.vector_load %arg5[%get3A_572] {strides = array<i32>} : memref<4096xi32, #tpu.memory_space<vmem>>, vector<16xi32>,
      %mul3A_574 = arith.constant 16 : i32
      %mul3A_575 = arith.muli %add3A_569, %mul3A_574 : i32
      %add3A_576 = vector.broadcast %mul3A_575 : i32 to vector<16xi32>
      %add3A_577 = arith.addi %iota3A, %add3A_576 : vector<16xi32>
      %eq3A_578 = arith.constant 4 : i32
      %eq3A_579 = vector.broadcast %eq3A_578 : i32 to vector<16xi32>
      %eq3A_580 = arith.cmpi eq, %get3A_573, %eq3A_579 : vector<16xi32>
      %jit3A = arith.constant 4096 : i32
      %broadcast_in_dim3A_581 = vector.broadcast %jit3A : i32 to vector<16xi32>
      %select_n3A = arith.select %eq3A_580, %add3A_577, %broadcast_in_dim3A_581 : vector<16xi1>, vector<16xi32>
      %min3A_582 = arith.minsi %scan3A_445, %select_n3A : vector<16xi32>
      %eq3A_583 = arith.constant 2 : i32
      %eq3A_584 = vector.broadcast %eq3A_583 : i32 to vector<16xi32>
      %eq3A_585 = arith.cmpi eq, %get3A_573, %eq3A_584 : vector<16xi32>
      %jit3A_586 = arith.constant 4096 : i32
      %broadcast_in_dim3A_587 = vector.broadcast %jit3A_586 : i32 to vector<16xi32>
      %select_n3A_588 = arith.select %eq3A_585, %add3A_577, %broadcast_in_dim3A_587 : vector<16xi1>, vector<16xi32>
      %min3A_589 = arith.minsi %scan3A_446, %select_n3A_588 : vector<16xi32>
      %mul3A_590 = arith.constant 4 : i32
      %mul3A_591 = arith.muli %scan3A_444, %mul3A_590 : i32
      %add3A_592 = arith.constant 1 : i32
      %add3A_593 = arith.addi %mul3A_591, %add3A_592 : i32
      %mul3A_594 = arith.constant 16 : i32
      %mul3A_595 = arith.muli %add3A_593, %mul3A_594 : i32
      %get3A_596 = arith.index_cast %mul3A_595 : i32 to index
      %get3A_597 = tpu.vector_load %arg5[%get3A_596] {strides = array<i32>} : memref<4096xi32, #tpu.memory_space<vmem>>, vector<16xi32>,
      %mul3A_598 = arith.constant 16 : i32
      %mul3A_599 = arith.muli %add3A_593, %mul3A_598 : i32
      %add3A_600 = vector.broadcast %mul3A_599 : i32 to vector<16xi32>
      %add3A_601 = arith.addi %iota3A, %add3A_600 : vector<16xi32>
      %eq3A_602 = arith.constant 4 : i32
      %eq3A_603 = vector.broadcast %eq3A_602 : i32 to vector<16xi32>
      %eq3A_604 = arith.cmpi eq, %get3A_597, %eq3A_603 : vector<16xi32>
      %jit3A_605 = arith.constant 4096 : i32
      %broadcast_in_dim3A_606 = vector.broadcast %jit3A_605 : i32 to vector<16xi32>
      %select_n3A_607 = arith.select %eq3A_604, %add3A_601, %broadcast_in_dim3A_606 : vector<16xi1>, vector<16xi32>
      %min3A_608 = arith.minsi %min3A_582, %select_n3A_607 : vector<16xi32>
      %eq3A_609 = arith.constant 2 : i32
      %eq3A_610 = vector.broadcast %eq3A_609 : i32 to vector<16xi32>
      %eq3A_611 = arith.cmpi eq, %get3A_597, %eq3A_610 : vector<16xi32>
      %jit3A_612 = arith.constant 4096 : i32
      %broadcast_in_dim3A_613 = vector.broadcast %jit3A_612 : i32 to vector<16xi32>
      %select_n3A_614 = arith.select %eq3A_611, %add3A_601, %broadcast_in_dim3A_613 : vector<16xi1>, vector<16xi32>
      %min3A_615 = arith.minsi %min3A_589, %select_n3A_614 : vector<16xi32>
      %mul3A_616 = arith.constant 4 : i32
      %mul3A_617 = arith.muli %scan3A_444, %mul3A_616 : i32
      %add3A_618 = arith.constant 2 : i32
      %add3A_619 = arith.addi %mul3A_617, %add3A_618 : i32
      %mul3A_620 = arith.constant 16 : i32
      %mul3A_621 = arith.muli %add3A_619, %mul3A_620 : i32
      %get3A_622 = arith.index_cast %mul3A_621 : i32 to index
      %get3A_623 = tpu.vector_load %arg5[%get3A_622] {strides = array<i32>} : memref<4096xi32, #tpu.memory_space<vmem>>, vector<16xi32>,
      %mul3A_624 = arith.constant 16 : i32
      %mul3A_625 = arith.muli %add3A_619, %mul3A_624 : i32
      %add3A_626 = vector.broadcast %mul3A_625 : i32 to vector<16xi32>
      %add3A_627 = arith.addi %iota3A, %add3A_626 : vector<16xi32>
      %eq3A_628 = arith.constant 4 : i32
      %eq3A_629 = vector.broadcast %eq3A_628 : i32 to vector<16xi32>
      %eq3A_630 = arith.cmpi eq, %get3A_623, %eq3A_629 : vector<16xi32>
      %jit3A_631 = arith.constant 4096 : i32
      %broadcast_in_dim3A_632 = vector.broadcast %jit3A_631 : i32 to vector<16xi32>
      %select_n3A_633 = arith.select %eq3A_630, %add3A_627, %broadcast_in_dim3A_632 : vector<16xi1>, vector<16xi32>
      %min3A_634 = arith.minsi %min3A_608, %select_n3A_633 : vector<16xi32>
      %eq3A_635 = arith.constant 2 : i32
      %eq3A_636 = vector.broadcast %eq3A_635 : i32 to vector<16xi32>
      %eq3A_637 = arith.cmpi eq, %get3A_623, %eq3A_636 : vector<16xi32>
      %jit3A_638 = arith.constant 4096 : i32
      %broadcast_in_dim3A_639 = vector.broadcast %jit3A_638 : i32 to vector<16xi32>
      %select_n3A_640 = arith.select %eq3A_637, %add3A_627, %broadcast_in_dim3A_639 : vector<16xi1>, vector<16xi32>
      %min3A_641 = arith.minsi %min3A_615, %select_n3A_640 : vector<16xi32>
      %mul3A_642 = arith.constant 4 : i32
      %mul3A_643 = arith.muli %scan3A_444, %mul3A_642 : i32
      %add3A_644 = arith.constant 3 : i32
      %add3A_645 = arith.addi %mul3A_643, %add3A_644 : i32
      %mul3A_646 = arith.constant 16 : i32
      %mul3A_647 = arith.muli %add3A_645, %mul3A_646 : i32
      %get3A_648 = arith.index_cast %mul3A_647 : i32 to index
      %get3A_649 = tpu.vector_load %arg5[%get3A_648] {strides = array<i32>} : memref<4096xi32, #tpu.memory_space<vmem>>, vector<16xi32>,
      %mul3A_650 = arith.constant 16 : i32
      %mul3A_651 = arith.muli %add3A_645, %mul3A_650 : i32
      %add3A_652 = vector.broadcast %mul3A_651 : i32 to vector<16xi32>
      %add3A_653 = arith.addi %iota3A, %add3A_652 : vector<16xi32>
      %eq3A_654 = arith.constant 4 : i32
      %eq3A_655 = vector.broadcast %eq3A_654 : i32 to vector<16xi32>
      %eq3A_656 = arith.cmpi eq, %get3A_649, %eq3A_655 : vector<16xi32>
      %jit3A_657 = arith.constant 4096 : i32
      %broadcast_in_dim3A_658 = vector.broadcast %jit3A_657 : i32 to vector<16xi32>
      %select_n3A_659 = arith.select %eq3A_656, %add3A_653, %broadcast_in_dim3A_658 : vector<16xi1>, vector<16xi32>
      %min3A_660 = arith.minsi %min3A_634, %select_n3A_659 : vector<16xi32>
      %eq3A_661 = arith.constant 2 : i32
      %eq3A_662 = vector.broadcast %eq3A_661 : i32 to vector<16xi32>
      %eq3A_663 = arith.cmpi eq, %get3A_649, %eq3A_662 : vector<16xi32>
      %jit3A_664 = arith.constant 4096 : i32
      %broadcast_in_dim3A_665 = vector.broadcast %jit3A_664 : i32 to vector<16xi32>
      %select_n3A_666 = arith.select %eq3A_663, %add3A_653, %broadcast_in_dim3A_665 : vector<16xi1>, vector<16xi32>
      %min3A_667 = arith.minsi %min3A_641, %select_n3A_666 : vector<16xi32>
      scf.yield %min3A_660, %min3A_667 : vector<16xi32>, vector<16xi32>
    }
    %scan3A_113 = arith.constant 64 : i32
    %reduce_min3A = arith.constant true
    %reduce_min3A_114 = vector.broadcast %reduce_min3A : i1 to vector<16xi1>
    %reduce_min3A_115 = arith.constant -2147483648 : i32
    %reduce_min3A_116 = vector.broadcast %reduce_min3A_115 : i32 to vector<16xi32>
    %reduce_min3A_117 = arith.xori %scan3A_112#0, %reduce_min3A_116 : vector<16xi32>
    %reduce_min3A_118 = tpu.scan <min>, %reduce_min3A_117 masked %reduce_min3A_114 : vector<16xi32>, vector<16xi1> -> vector<16xi32>
    %reduce_min3A_119 = arith.xori %reduce_min3A_118, %reduce_min3A_116 : vector<16xi32>
    %reduce_min3A_120 = vector.extract %reduce_min3A_119[15] : i32 from vector<16xi32>
    %reduce_min3A_121 = arith.constant true
    %reduce_min3A_122 = vector.broadcast %reduce_min3A_121 : i1 to vector<16xi1>
    %reduce_min3A_123 = arith.constant -2147483648 : i32
    %reduce_min3A_124 = vector.broadcast %reduce_min3A_123 : i32 to vector<16xi32>
    %reduce_min3A_125 = arith.xori %scan3A_112#1, %reduce_min3A_124 : vector<16xi32>
    %reduce_min3A_126 = tpu.scan <min>, %reduce_min3A_125 masked %reduce_min3A_122 : vector<16xi32>, vector<16xi1> -> vector<16xi32>
    %reduce_min3A_127 = arith.xori %reduce_min3A_126, %reduce_min3A_124 : vector<16xi32>
    %reduce_min3A_128 = vector.extract %reduce_min3A_127[15] : i32 from vector<16xi32>
    %mul3A_129 = arith.constant 2048 : i32
    %mul3A_130 = arith.muli %and3A_2, %mul3A_129 : i32
    %add3A_131 = arith.constant 2048 : i32
    %add3A_132 = arith.addi %mul3A_130, %add3A_131 : i32
    %max3A = arith.maxsi %reduce_min3A_120, %mul3A_130 : i32
    %min3A = arith.minsi %max3A, %add3A_132 : i32
    %max3A_133 = arith.maxsi %reduce_min3A_128, %min3A : i32
    %min3A_134 = arith.minsi %max3A_133, %add3A_132 : i32
    %sub3A = arith.subi %min3A, %mul3A_130 : i32
    %shift_right_arithmetic3A_135 = arith.constant 6 : i32
    %shift_right_arithmetic3A_136 = arith.shrsi %sub3A, %shift_right_arithmetic3A_135 : i32
    %while3A = arith.constant 0 : i32
    %while3A_137 = arith.constant 0 : i32
    %while3A_138 = arith.subi %shift_right_arithmetic3A_136, %while3A : i32
    %while3A_139 = arith.addi %while3A, %while3A_138 : i32
    %while3A_140 = arith.constant 1 : i32
    %while3A_141 = arith.divsi %while3A_138, %while3A_140 : i32
    %while3A_142 = arith.muli %while3A_141, %while3A_140 : i32
    %while3A_143 = arith.addi %while3A, %while3A_142 : i32
    %while3A_144 = arith.constant 1 : i32
    %while3A_145 = scf.for %while3A_444 = %while3A to %while3A_143 step %while3A_144 iter_args(%while3A_445 = %while3A_137) -> (i32)  : i32 {
      %shift_left3A_446 = arith.constant 6 : i32
      %shift_left3A_447 = arith.shli %while3A_444, %shift_left3A_446 : i32
      %add3A_448 = arith.addi %mul3A_130, %shift_left3A_447 : i32
      %dma_start3A_449 = arith.constant 64 : i32
      %dma_start3A_450 = arith.constant 0 : i32
      %dma_start3A_451 = tpu.memref_slice %arg7[%dma_start3A_449, %dma_start3A_450] : memref<192x128xf32, #tpu.memory_space<vmem>> -> memref<64x128xf32, #tpu.memory_space<vmem>>
      %dma_start3A_452 = arith.constant 0 : i32
      %dma_start3A_453 = tpu.memref_slice %arg4[%shift_right_arithmetic3A_1, %add3A_448, %dma_start3A_452] : memref<16x4096x128xf32, #tpu.memory_space<hbm>> -> memref<1x64x128xf32, #tpu.memory_space<hbm>>
      %dma_start3A_454 = tpu.memref_squeeze %dma_start3A_453 : memref<1x64x128xf32, #tpu.memory_space<hbm>> -> memref<64x128xf32, #tpu.memory_space<hbm>>
      %dma_start3A_455 = arith.constant 0 : i32
      %dma_start3A_456 = tpu.memref_slice %arg4[%shift_right_arithmetic3A_1, %add3A_448, %dma_start3A_455] : memref<16x4096x128xf32, #tpu.memory_space<hbm>> -> memref<1x64x128xf32, #tpu.memory_space<hbm>>
      %dma_start3A_457 = tpu.memref_squeeze %dma_start3A_456 : memref<1x64x128xf32, #tpu.memory_space<hbm>> -> memref<64x128xf32, #tpu.memory_space<hbm>>
      %dma_start3A_458 = arith.constant 64 : i32
      %dma_start3A_459 = arith.constant 0 : i32
      %dma_start3A_460 = tpu.memref_slice %arg7[%dma_start3A_458, %dma_start3A_459] : memref<192x128xf32, #tpu.memory_space<vmem>> -> memref<64x128xf32, #tpu.memory_space<vmem>>
      tpu.enqueue_dma source(%dma_start3A_460 : memref<64x128xf32, #tpu.memory_space<vmem>>) target(%dma_start3A_457 : memref<64x128xf32, #tpu.memory_space<hbm>>) target_semaphore(%arg8 : memref<!tpu.dma_semaphore, #tpu.memory_space<semaphore_mem>>)
      %while3A_461 = arith.constant 0 : i32
      scf.yield %while3A_461 : i32
    }
    %while3A_146 = arith.constant 1 : i32
    %while3A_147 = scf.for %while3A_444 = %while3A_143 to %while3A_139 step %while3A_146 iter_args(%while3A_445 = %while3A_145) -> (i32)  : i32 {
      %shift_left3A_446 = arith.constant 6 : i32
      %shift_left3A_447 = arith.shli %while3A_444, %shift_left3A_446 : i32
      %add3A_448 = arith.addi %mul3A_130, %shift_left3A_447 : i32
      %dma_start3A_449 = arith.constant 64 : i32
      %dma_start3A_450 = arith.constant 0 : i32
      %dma_start3A_451 = tpu.memref_slice %arg7[%dma_start3A_449, %dma_start3A_450] : memref<192x128xf32, #tpu.memory_space<vmem>> -> memref<64x128xf32, #tpu.memory_space<vmem>>
      %dma_start3A_452 = arith.constant 0 : i32
      %dma_start3A_453 = tpu.memref_slice %arg4[%shift_right_arithmetic3A_1, %add3A_448, %dma_start3A_452] : memref<16x4096x128xf32, #tpu.memory_space<hbm>> -> memref<1x64x128xf32, #tpu.memory_space<hbm>>
      %dma_start3A_454 = tpu.memref_squeeze %dma_start3A_453 : memref<1x64x128xf32, #tpu.memory_space<hbm>> -> memref<64x128xf32, #tpu.memory_space<hbm>>
      %dma_start3A_455 = arith.constant 0 : i32
      %dma_start3A_456 = tpu.memref_slice %arg4[%shift_right_arithmetic3A_1, %add3A_448, %dma_start3A_455] : memref<16x4096x128xf32, #tpu.memory_space<hbm>> -> memref<1x64x128xf32, #tpu.memory_space<hbm>>
      %dma_start3A_457 = tpu.memref_squeeze %dma_start3A_456 : memref<1x64x128xf32, #tpu.memory_space<hbm>> -> memref<64x128xf32, #tpu.memory_space<hbm>>
      %dma_start3A_458 = arith.constant 64 : i32
      %dma_start3A_459 = arith.constant 0 : i32
      %dma_start3A_460 = tpu.memref_slice %arg7[%dma_start3A_458, %dma_start3A_459] : memref<192x128xf32, #tpu.memory_space<vmem>> -> memref<64x128xf32, #tpu.memory_space<vmem>>
      tpu.enqueue_dma source(%dma_start3A_460 : memref<64x128xf32, #tpu.memory_space<vmem>>) target(%dma_start3A_457 : memref<64x128xf32, #tpu.memory_space<hbm>>) target_semaphore(%arg8 : memref<!tpu.dma_semaphore, #tpu.memory_space<semaphore_mem>>)
      %while3A_461 = arith.constant 0 : i32
      scf.yield %while3A_461 : i32
    }
    %and3A_148 = arith.constant 63 : i32
    %and3A_149 = arith.andi %sub3A, %and3A_148 : i32
    %sub3A_150 = arith.subi %sub3A, %and3A_149 : i32
    %add3A_151 = arith.addi %mul3A_130, %sub3A_150 : i32
    %shift_right_arithmetic3A_152 = arith.constant 6 : i32
    %shift_right_arithmetic3A_153 = arith.shrsi %and3A_149, %shift_right_arithmetic3A_152 : i32
    %shift_left3A = arith.constant 6 : i32
    %shift_left3A_154 = arith.shli %shift_right_arithmetic3A_153, %shift_left3A : i32
    %add3A_155 = arith.addi %add3A_151, %shift_left3A_154 : i32
    %shift_right_arithmetic3A_156 = arith.constant 5 : i32
    %shift_right_arithmetic3A_157 = arith.shrsi %and3A_149, %shift_right_arithmetic3A_156 : i32
    %and3A_158 = arith.constant 1 : i32
    %and3A_159 = arith.andi %shift_right_arithmetic3A_157, %and3A_158 : i32
    %eq3A = arith.constant 1 : i32
    %eq3A_160 = arith.cmpi eq, %and3A_159, %eq3A : i32
    %convert_element_type3A = arith.extui %eq3A_160 : i1 to i32
    %cond3A = arith.constant 0 : i32
    %cond3A_161 = arith.cmpi ne, %convert_element_type3A, %cond3A : i32
    scf.if %cond3A_161 {
      %dma_start3A_444 = arith.constant 64 : i32
      %dma_start3A_445 = arith.constant 0 : i32
      %dma_start3A_446 = tpu.memref_slice %arg7[%dma_start3A_444, %dma_start3A_445] : memref<192x128xf32, #tpu.memory_space<vmem>> -> memref<32x128xf32, #tpu.memory_space<vmem>>
      %dma_start3A_447 = arith.constant 0 : i32
      %dma_start3A_448 = tpu.memref_slice %arg4[%shift_right_arithmetic3A_1, %add3A_155, %dma_start3A_447] : memref<16x4096x128xf32, #tpu.memory_space<hbm>> -> memref<1x32x128xf32, #tpu.memory_space<hbm>>
      %dma_start3A_449 = tpu.memref_squeeze %dma_start3A_448 : memref<1x32x128xf32, #tpu.memory_space<hbm>> -> memref<32x128xf32, #tpu.memory_space<hbm>>
      %dma_start3A_450 = arith.constant 0 : i32
      %dma_start3A_451 = tpu.memref_slice %arg4[%shift_right_arithmetic3A_1, %add3A_155, %dma_start3A_450] : memref<16x4096x128xf32, #tpu.memory_space<hbm>> -> memref<1x32x128xf32, #tpu.memory_space<hbm>>
      %dma_start3A_452 = tpu.memref_squeeze %dma_start3A_451 : memref<1x32x128xf32, #tpu.memory_space<hbm>> -> memref<32x128xf32, #tpu.memory_space<hbm>>
      %dma_start3A_453 = arith.constant 64 : i32
      %dma_start3A_454 = arith.constant 0 : i32
      %dma_start3A_455 = tpu.memref_slice %arg7[%dma_start3A_453, %dma_start3A_454] : memref<192x128xf32, #tpu.memory_space<vmem>> -> memref<32x128xf32, #tpu.memory_space<vmem>>
      tpu.enqueue_dma source(%dma_start3A_455 : memref<32x128xf32, #tpu.memory_space<vmem>>) target(%dma_start3A_452 : memref<32x128xf32, #tpu.memory_space<hbm>>) target_semaphore(%arg8 : memref<!tpu.dma_semaphore, #tpu.memory_space<semaphore_mem>>)
    } else {
    }
    %shift_right_arithmetic3A_162 = arith.constant 5 : i32
    %shift_right_arithmetic3A_163 = arith.shrsi %and3A_149, %shift_right_arithmetic3A_162 : i32
    %shift_left3A_164 = arith.constant 5 : i32
    %shift_left3A_165 = arith.shli %shift_right_arithmetic3A_163, %shift_left3A_164 : i32
    %add3A_166 = arith.addi %add3A_151, %shift_left3A_165 : i32
    %shift_right_arithmetic3A_167 = arith.constant 4 : i32
    %shift_right_arithmetic3A_168 = arith.shrsi %and3A_149, %shift_right_arithmetic3A_167 : i32
    %and3A_169 = arith.constant 1 : i32
    %and3A_170 = arith.andi %shift_right_arithmetic3A_168, %and3A_169 : i32
    %eq3A_171 = arith.constant 1 : i32
    %eq3A_172 = arith.cmpi eq, %and3A_170, %eq3A_171 : i32
    %convert_element_type3A_173 = arith.extui %eq3A_172 : i1 to i32
    %cond3A_174 = arith.constant 0 : i32
    %cond3A_175 = arith.cmpi ne, %convert_element_type3A_173, %cond3A_174 : i32
    scf.if %cond3A_175 {
      %dma_start3A_444 = arith.constant 64 : i32
      %dma_start3A_445 = arith.constant 0 : i32
      %dma_start3A_446 = tpu.memref_slice %arg7[%dma_start3A_444, %dma_start3A_445] : memref<192x128xf32, #tpu.memory_space<vmem>> -> memref<16x128xf32, #tpu.memory_space<vmem>>
      %dma_start3A_447 = arith.constant 0 : i32
      %dma_start3A_448 = tpu.memref_slice %arg4[%shift_right_arithmetic3A_1, %add3A_166, %dma_start3A_447] : memref<16x4096x128xf32, #tpu.memory_space<hbm>> -> memref<1x16x128xf32, #tpu.memory_space<hbm>>
      %dma_start3A_449 = tpu.memref_squeeze %dma_start3A_448 : memref<1x16x128xf32, #tpu.memory_space<hbm>> -> memref<16x128xf32, #tpu.memory_space<hbm>>
      %dma_start3A_450 = arith.constant 0 : i32
      %dma_start3A_451 = tpu.memref_slice %arg4[%shift_right_arithmetic3A_1, %add3A_166, %dma_start3A_450] : memref<16x4096x128xf32, #tpu.memory_space<hbm>> -> memref<1x16x128xf32, #tpu.memory_space<hbm>>
      %dma_start3A_452 = tpu.memref_squeeze %dma_start3A_451 : memref<1x16x128xf32, #tpu.memory_space<hbm>> -> memref<16x128xf32, #tpu.memory_space<hbm>>
      %dma_start3A_453 = arith.constant 64 : i32
      %dma_start3A_454 = arith.constant 0 : i32
      %dma_start3A_455 = tpu.memref_slice %arg7[%dma_start3A_453, %dma_start3A_454] : memref<192x128xf32, #tpu.memory_space<vmem>> -> memref<16x128xf32, #tpu.memory_space<vmem>>
      tpu.enqueue_dma source(%dma_start3A_455 : memref<16x128xf32, #tpu.memory_space<vmem>>) target(%dma_start3A_452 : memref<16x128xf32, #tpu.memory_space<hbm>>) target_semaphore(%arg8 : memref<!tpu.dma_semaphore, #tpu.memory_space<semaphore_mem>>)
    } else {
    }
    %shift_right_arithmetic3A_176 = arith.constant 4 : i32
    %shift_right_arithmetic3A_177 = arith.shrsi %and3A_149, %shift_right_arithmetic3A_176 : i32
    %shift_left3A_178 = arith.constant 4 : i32
    %shift_left3A_179 = arith.shli %shift_right_arithmetic3A_177, %shift_left3A_178 : i32
    %add3A_180 = arith.addi %add3A_151, %shift_left3A_179 : i32
    %shift_right_arithmetic3A_181 = arith.constant 3 : i32
    %shift_right_arithmetic3A_182 = arith.shrsi %and3A_149, %shift_right_arithmetic3A_181 : i32
    %and3A_183 = arith.constant 1 : i32
    %and3A_184 = arith.andi %shift_right_arithmetic3A_182, %and3A_183 : i32
    %eq3A_185 = arith.constant 1 : i32
    %eq3A_186 = arith.cmpi eq, %and3A_184, %eq3A_185 : i32
    %convert_element_type3A_187 = arith.extui %eq3A_186 : i1 to i32
    %cond3A_188 = arith.constant 0 : i32
    %cond3A_189 = arith.cmpi ne, %convert_element_type3A_187, %cond3A_188 : i32
    scf.if %cond3A_189 {
      %dma_start3A_444 = arith.constant 64 : i32
      %dma_start3A_445 = arith.constant 0 : i32
      %dma_start3A_446 = tpu.memref_slice %arg7[%dma_start3A_444, %dma_start3A_445] : memref<192x128xf32, #tpu.memory_space<vmem>> -> memref<8x128xf32, #tpu.memory_space<vmem>>
      %dma_start3A_447 = arith.constant 0 : i32
      %dma_start3A_448 = tpu.memref_slice %arg4[%shift_right_arithmetic3A_1, %add3A_180, %dma_start3A_447] : memref<16x4096x128xf32, #tpu.memory_space<hbm>> -> memref<1x8x128xf32, #tpu.memory_space<hbm>>
      %dma_start3A_449 = tpu.memref_squeeze %dma_start3A_448 : memref<1x8x128xf32, #tpu.memory_space<hbm>> -> memref<8x128xf32, #tpu.memory_space<hbm>>
      %dma_start3A_450 = arith.constant 0 : i32
      %dma_start3A_451 = tpu.memref_slice %arg4[%shift_right_arithmetic3A_1, %add3A_180, %dma_start3A_450] : memref<16x4096x128xf32, #tpu.memory_space<hbm>> -> memref<1x8x128xf32, #tpu.memory_space<hbm>>
      %dma_start3A_452 = tpu.memref_squeeze %dma_start3A_451 : memref<1x8x128xf32, #tpu.memory_space<hbm>> -> memref<8x128xf32, #tpu.memory_space<hbm>>
      %dma_start3A_453 = arith.constant 64 : i32
      %dma_start3A_454 = arith.constant 0 : i32
      %dma_start3A_455 = tpu.memref_slice %arg7[%dma_start3A_453, %dma_start3A_454] : memref<192x128xf32, #tpu.memory_space<vmem>> -> memref<8x128xf32, #tpu.memory_space<vmem>>
      tpu.enqueue_dma source(%dma_start3A_455 : memref<8x128xf32, #tpu.memory_space<vmem>>) target(%dma_start3A_452 : memref<8x128xf32, #tpu.memory_space<hbm>>) target_semaphore(%arg8 : memref<!tpu.dma_semaphore, #tpu.memory_space<semaphore_mem>>)
    } else {
    }
    %shift_right_arithmetic3A_190 = arith.constant 3 : i32
    %shift_right_arithmetic3A_191 = arith.shrsi %and3A_149, %shift_right_arithmetic3A_190 : i32
    %shift_left3A_192 = arith.constant 3 : i32
    %shift_left3A_193 = arith.shli %shift_right_arithmetic3A_191, %shift_left3A_192 : i32
    %add3A_194 = arith.addi %add3A_151, %shift_left3A_193 : i32
    %shift_right_arithmetic3A_195 = arith.constant 2 : i32
    %shift_right_arithmetic3A_196 = arith.shrsi %and3A_149, %shift_right_arithmetic3A_195 : i32
    %and3A_197 = arith.constant 1 : i32
    %and3A_198 = arith.andi %shift_right_arithmetic3A_196, %and3A_197 : i32
    %eq3A_199 = arith.constant 1 : i32
    %eq3A_200 = arith.cmpi eq, %and3A_198, %eq3A_199 : i32
    %convert_element_type3A_201 = arith.extui %eq3A_200 : i1 to i32
    %cond3A_202 = arith.constant 0 : i32
    %cond3A_203 = arith.cmpi ne, %convert_element_type3A_201, %cond3A_202 : i32
    scf.if %cond3A_203 {
      %dma_start3A_444 = arith.constant 64 : i32
      %dma_start3A_445 = arith.constant 0 : i32
      %dma_start3A_446 = tpu.memref_slice %arg7[%dma_start3A_444, %dma_start3A_445] : memref<192x128xf32, #tpu.memory_space<vmem>> -> memref<4x128xf32, #tpu.memory_space<vmem>>
      %dma_start3A_447 = arith.constant 0 : i32
      %dma_start3A_448 = tpu.memref_slice %arg4[%shift_right_arithmetic3A_1, %add3A_194, %dma_start3A_447] : memref<16x4096x128xf32, #tpu.memory_space<hbm>> -> memref<1x4x128xf32, #tpu.memory_space<hbm>>
      %dma_start3A_449 = tpu.memref_squeeze %dma_start3A_448 : memref<1x4x128xf32, #tpu.memory_space<hbm>> -> memref<4x128xf32, #tpu.memory_space<hbm>>
      %dma_start3A_450 = arith.constant 0 : i32
      %dma_start3A_451 = tpu.memref_slice %arg4[%shift_right_arithmetic3A_1, %add3A_194, %dma_start3A_450] : memref<16x4096x128xf32, #tpu.memory_space<hbm>> -> memref<1x4x128xf32, #tpu.memory_space<hbm>>
      %dma_start3A_452 = tpu.memref_squeeze %dma_start3A_451 : memref<1x4x128xf32, #tpu.memory_space<hbm>> -> memref<4x128xf32, #tpu.memory_space<hbm>>
      %dma_start3A_453 = arith.constant 64 : i32
      %dma_start3A_454 = arith.constant 0 : i32
      %dma_start3A_455 = tpu.memref_slice %arg7[%dma_start3A_453, %dma_start3A_454] : memref<192x128xf32, #tpu.memory_space<vmem>> -> memref<4x128xf32, #tpu.memory_space<vmem>>
      tpu.enqueue_dma source(%dma_start3A_455 : memref<4x128xf32, #tpu.memory_space<vmem>>) target(%dma_start3A_452 : memref<4x128xf32, #tpu.memory_space<hbm>>) target_semaphore(%arg8 : memref<!tpu.dma_semaphore, #tpu.memory_space<semaphore_mem>>)
    } else {
    }
    %shift_right_arithmetic3A_204 = arith.constant 2 : i32
    %shift_right_arithmetic3A_205 = arith.shrsi %and3A_149, %shift_right_arithmetic3A_204 : i32
    %shift_left3A_206 = arith.constant 2 : i32
    %shift_left3A_207 = arith.shli %shift_right_arithmetic3A_205, %shift_left3A_206 : i32
    %add3A_208 = arith.addi %add3A_151, %shift_left3A_207 : i32
    %shift_right_arithmetic3A_209 = arith.constant 1 : i32
    %shift_right_arithmetic3A_210 = arith.shrsi %and3A_149, %shift_right_arithmetic3A_209 : i32
    %and3A_211 = arith.constant 1 : i32
    %and3A_212 = arith.andi %shift_right_arithmetic3A_210, %and3A_211 : i32
    %eq3A_213 = arith.constant 1 : i32
    %eq3A_214 = arith.cmpi eq, %and3A_212, %eq3A_213 : i32
    %convert_element_type3A_215 = arith.extui %eq3A_214 : i1 to i32
    %cond3A_216 = arith.constant 0 : i32
    %cond3A_217 = arith.cmpi ne, %convert_element_type3A_215, %cond3A_216 : i32
    scf.if %cond3A_217 {
      %dma_start3A_444 = arith.constant 64 : i32
      %dma_start3A_445 = arith.constant 0 : i32
      %dma_start3A_446 = tpu.memref_slice %arg7[%dma_start3A_444, %dma_start3A_445] : memref<192x128xf32, #tpu.memory_space<vmem>> -> memref<2x128xf32, #tpu.memory_space<vmem>>
      %dma_start3A_447 = arith.constant 0 : i32
      %dma_start3A_448 = tpu.memref_slice %arg4[%shift_right_arithmetic3A_1, %add3A_208, %dma_start3A_447] : memref<16x4096x128xf32, #tpu.memory_space<hbm>> -> memref<1x2x128xf32, #tpu.memory_space<hbm>>
      %dma_start3A_449 = tpu.memref_squeeze %dma_start3A_448 : memref<1x2x128xf32, #tpu.memory_space<hbm>> -> memref<2x128xf32, #tpu.memory_space<hbm>>
      %dma_start3A_450 = arith.constant 0 : i32
      %dma_start3A_451 = tpu.memref_slice %arg4[%shift_right_arithmetic3A_1, %add3A_208, %dma_start3A_450] : memref<16x4096x128xf32, #tpu.memory_space<hbm>> -> memref<1x2x128xf32, #tpu.memory_space<hbm>>
      %dma_start3A_452 = tpu.memref_squeeze %dma_start3A_451 : memref<1x2x128xf32, #tpu.memory_space<hbm>> -> memref<2x128xf32, #tpu.memory_space<hbm>>
      %dma_start3A_453 = arith.constant 64 : i32
      %dma_start3A_454 = arith.constant 0 : i32
      %dma_start3A_455 = tpu.memref_slice %arg7[%dma_start3A_453, %dma_start3A_454] : memref<192x128xf32, #tpu.memory_space<vmem>> -> memref<2x128xf32, #tpu.memory_space<vmem>>
      tpu.enqueue_dma source(%dma_start3A_455 : memref<2x128xf32, #tpu.memory_space<vmem>>) target(%dma_start3A_452 : memref<2x128xf32, #tpu.memory_space<hbm>>) target_semaphore(%arg8 : memref<!tpu.dma_semaphore, #tpu.memory_space<semaphore_mem>>)
    } else {
    }
    %shift_right_arithmetic3A_218 = arith.constant 1 : i32
    %shift_right_arithmetic3A_219 = arith.shrsi %and3A_149, %shift_right_arithmetic3A_218 : i32
    %shift_left3A_220 = arith.constant 1 : i32
    %shift_left3A_221 = arith.shli %shift_right_arithmetic3A_219, %shift_left3A_220 : i32
    %add3A_222 = arith.addi %add3A_151, %shift_left3A_221 : i32
    %shift_right_arithmetic3A_223 = arith.constant 0 : i32
    %shift_right_arithmetic3A_224 = arith.shrsi %and3A_149, %shift_right_arithmetic3A_223 : i32
    %and3A_225 = arith.constant 1 : i32
    %and3A_226 = arith.andi %shift_right_arithmetic3A_224, %and3A_225 : i32
    %eq3A_227 = arith.constant 1 : i32
    %eq3A_228 = arith.cmpi eq, %and3A_226, %eq3A_227 : i32
    %convert_element_type3A_229 = arith.extui %eq3A_228 : i1 to i32
    %cond3A_230 = arith.constant 0 : i32
    %cond3A_231 = arith.cmpi ne, %convert_element_type3A_229, %cond3A_230 : i32
    scf.if %cond3A_231 {
      %dma_start3A_444 = arith.constant 64 : i32
      %dma_start3A_445 = arith.constant 0 : i32
      %dma_start3A_446 = tpu.memref_slice %arg7[%dma_start3A_444, %dma_start3A_445] : memref<192x128xf32, #tpu.memory_space<vmem>> -> memref<1x128xf32, #tpu.memory_space<vmem>>
      %dma_start3A_447 = arith.constant 0 : i32
      %dma_start3A_448 = tpu.memref_slice %arg4[%shift_right_arithmetic3A_1, %add3A_222, %dma_start3A_447] : memref<16x4096x128xf32, #tpu.memory_space<hbm>> -> memref<1x1x128xf32, #tpu.memory_space<hbm>>
      %dma_start3A_449 = tpu.memref_squeeze %dma_start3A_448 : memref<1x1x128xf32, #tpu.memory_space<hbm>> -> memref<1x128xf32, #tpu.memory_space<hbm>>
      %dma_start3A_450 = arith.constant 0 : i32
      %dma_start3A_451 = tpu.memref_slice %arg4[%shift_right_arithmetic3A_1, %add3A_222, %dma_start3A_450] : memref<16x4096x128xf32, #tpu.memory_space<hbm>> -> memref<1x1x128xf32, #tpu.memory_space<hbm>>
      %dma_start3A_452 = tpu.memref_squeeze %dma_start3A_451 : memref<1x1x128xf32, #tpu.memory_space<hbm>> -> memref<1x128xf32, #tpu.memory_space<hbm>>
      %dma_start3A_453 = arith.constant 64 : i32
      %dma_start3A_454 = arith.constant 0 : i32
      %dma_start3A_455 = tpu.memref_slice %arg7[%dma_start3A_453, %dma_start3A_454] : memref<192x128xf32, #tpu.memory_space<vmem>> -> memref<1x128xf32, #tpu.memory_space<vmem>>
      tpu.enqueue_dma source(%dma_start3A_455 : memref<1x128xf32, #tpu.memory_space<vmem>>) target(%dma_start3A_452 : memref<1x128xf32, #tpu.memory_space<hbm>>) target_semaphore(%arg8 : memref<!tpu.dma_semaphore, #tpu.memory_space<semaphore_mem>>)
    } else {
    }
    %sub3A_232 = arith.subi %min3A_134, %min3A : i32
    %shift_right_arithmetic3A_233 = arith.constant 6 : i32
    %shift_right_arithmetic3A_234 = arith.shrsi %sub3A_232, %shift_right_arithmetic3A_233 : i32
    %while3A_235 = arith.constant 0 : i32
    %while3A_236 = arith.constant 0 : i32
    %while3A_237 = arith.subi %shift_right_arithmetic3A_234, %while3A_235 : i32
    %while3A_238 = arith.addi %while3A_235, %while3A_237 : i32
    %while3A_239 = arith.constant 1 : i32
    %while3A_240 = arith.divsi %while3A_237, %while3A_239 : i32
    %while3A_241 = arith.muli %while3A_240, %while3A_239 : i32
    %while3A_242 = arith.addi %while3A_235, %while3A_241 : i32
    %while3A_243 = arith.constant 1 : i32
    %while3A_244 = scf.for %while3A_444 = %while3A_235 to %while3A_242 step %while3A_243 iter_args(%while3A_445 = %while3A_236) -> (i32)  : i32 {
      %shift_left3A_446 = arith.constant 6 : i32
      %shift_left3A_447 = arith.shli %while3A_444, %shift_left3A_446 : i32
      %add3A_448 = arith.addi %min3A, %shift_left3A_447 : i32
      %dma_start3A_449 = arith.constant 128 : i32
      %dma_start3A_450 = arith.constant 0 : i32
      %dma_start3A_451 = tpu.memref_slice %arg7[%dma_start3A_449, %dma_start3A_450] : memref<192x128xf32, #tpu.memory_space<vmem>> -> memref<64x128xf32, #tpu.memory_space<vmem>>
      %dma_start3A_452 = arith.constant 0 : i32
      %dma_start3A_453 = tpu.memref_slice %arg4[%shift_right_arithmetic3A_1, %add3A_448, %dma_start3A_452] : memref<16x4096x128xf32, #tpu.memory_space<hbm>> -> memref<1x64x128xf32, #tpu.memory_space<hbm>>
      %dma_start3A_454 = tpu.memref_squeeze %dma_start3A_453 : memref<1x64x128xf32, #tpu.memory_space<hbm>> -> memref<64x128xf32, #tpu.memory_space<hbm>>
      %dma_start3A_455 = arith.constant 0 : i32
      %dma_start3A_456 = tpu.memref_slice %arg4[%shift_right_arithmetic3A_1, %add3A_448, %dma_start3A_455] : memref<16x4096x128xf32, #tpu.memory_space<hbm>> -> memref<1x64x128xf32, #tpu.memory_space<hbm>>
      %dma_start3A_457 = tpu.memref_squeeze %dma_start3A_456 : memref<1x64x128xf32, #tpu.memory_space<hbm>> -> memref<64x128xf32, #tpu.memory_space<hbm>>
      %dma_start3A_458 = arith.constant 128 : i32
      %dma_start3A_459 = arith.constant 0 : i32
      %dma_start3A_460 = tpu.memref_slice %arg7[%dma_start3A_458, %dma_start3A_459] : memref<192x128xf32, #tpu.memory_space<vmem>> -> memref<64x128xf32, #tpu.memory_space<vmem>>
      tpu.enqueue_dma source(%dma_start3A_460 : memref<64x128xf32, #tpu.memory_space<vmem>>) target(%dma_start3A_457 : memref<64x128xf32, #tpu.memory_space<hbm>>) target_semaphore(%arg8 : memref<!tpu.dma_semaphore, #tpu.memory_space<semaphore_mem>>)
      %while3A_461 = arith.constant 0 : i32
      scf.yield %while3A_461 : i32
    }
    %while3A_245 = arith.constant 1 : i32
    %while3A_246 = scf.for %while3A_444 = %while3A_242 to %while3A_238 step %while3A_245 iter_args(%while3A_445 = %while3A_244) -> (i32)  : i32 {
      %shift_left3A_446 = arith.constant 6 : i32
      %shift_left3A_447 = arith.shli %while3A_444, %shift_left3A_446 : i32
      %add3A_448 = arith.addi %min3A, %shift_left3A_447 : i32
      %dma_start3A_449 = arith.constant 128 : i32
      %dma_start3A_450 = arith.constant 0 : i32
      %dma_start3A_451 = tpu.memref_slice %arg7[%dma_start3A_449, %dma_start3A_450] : memref<192x128xf32, #tpu.memory_space<vmem>> -> memref<64x128xf32, #tpu.memory_space<vmem>>
      %dma_start3A_452 = arith.constant 0 : i32
      %dma_start3A_453 = tpu.memref_slice %arg4[%shift_right_arithmetic3A_1, %add3A_448, %dma_start3A_452] : memref<16x4096x128xf32, #tpu.memory_space<hbm>> -> memref<1x64x128xf32, #tpu.memory_space<hbm>>
      %dma_start3A_454 = tpu.memref_squeeze %dma_start3A_453 : memref<1x64x128xf32, #tpu.memory_space<hbm>> -> memref<64x128xf32, #tpu.memory_space<hbm>>
      %dma_start3A_455 = arith.constant 0 : i32
      %dma_start3A_456 = tpu.memref_slice %arg4[%shift_right_arithmetic3A_1, %add3A_448, %dma_start3A_455] : memref<16x4096x128xf32, #tpu.memory_space<hbm>> -> memref<1x64x128xf32, #tpu.memory_space<hbm>>
      %dma_start3A_457 = tpu.memref_squeeze %dma_start3A_456 : memref<1x64x128xf32, #tpu.memory_space<hbm>> -> memref<64x128xf32, #tpu.memory_space<hbm>>
      %dma_start3A_458 = arith.constant 128 : i32
      %dma_start3A_459 = arith.constant 0 : i32
      %dma_start3A_460 = tpu.memref_slice %arg7[%dma_start3A_458, %dma_start3A_459] : memref<192x128xf32, #tpu.memory_space<vmem>> -> memref<64x128xf32, #tpu.memory_space<vmem>>
      tpu.enqueue_dma source(%dma_start3A_460 : memref<64x128xf32, #tpu.memory_space<vmem>>) target(%dma_start3A_457 : memref<64x128xf32, #tpu.memory_space<hbm>>) target_semaphore(%arg8 : memref<!tpu.dma_semaphore, #tpu.memory_space<semaphore_mem>>)
      %while3A_461 = arith.constant 0 : i32
      scf.yield %while3A_461 : i32
    }
    %and3A_247 = arith.constant 63 : i32
    %and3A_248 = arith.andi %sub3A_232, %and3A_247 : i32
    %sub3A_249 = arith.subi %sub3A_232, %and3A_248 : i32
    %add3A_250 = arith.addi %min3A, %sub3A_249 : i32
    %shift_right_arithmetic3A_251 = arith.constant 6 : i32
    %shift_right_arithmetic3A_252 = arith.shrsi %and3A_248, %shift_right_arithmetic3A_251 : i32
    %shift_left3A_253 = arith.constant 6 : i32
    %shift_left3A_254 = arith.shli %shift_right_arithmetic3A_252, %shift_left3A_253 : i32
    %add3A_255 = arith.addi %add3A_250, %shift_left3A_254 : i32
    %shift_right_arithmetic3A_256 = arith.constant 5 : i32
    %shift_right_arithmetic3A_257 = arith.shrsi %and3A_248, %shift_right_arithmetic3A_256 : i32
    %and3A_258 = arith.constant 1 : i32
    %and3A_259 = arith.andi %shift_right_arithmetic3A_257, %and3A_258 : i32
    %eq3A_260 = arith.constant 1 : i32
    %eq3A_261 = arith.cmpi eq, %and3A_259, %eq3A_260 : i32
    %convert_element_type3A_262 = arith.extui %eq3A_261 : i1 to i32
    %cond3A_263 = arith.constant 0 : i32
    %cond3A_264 = arith.cmpi ne, %convert_element_type3A_262, %cond3A_263 : i32
    scf.if %cond3A_264 {
      %dma_start3A_444 = arith.constant 128 : i32
      %dma_start3A_445 = arith.constant 0 : i32
      %dma_start3A_446 = tpu.memref_slice %arg7[%dma_start3A_444, %dma_start3A_445] : memref<192x128xf32, #tpu.memory_space<vmem>> -> memref<32x128xf32, #tpu.memory_space<vmem>>
      %dma_start3A_447 = arith.constant 0 : i32
      %dma_start3A_448 = tpu.memref_slice %arg4[%shift_right_arithmetic3A_1, %add3A_255, %dma_start3A_447] : memref<16x4096x128xf32, #tpu.memory_space<hbm>> -> memref<1x32x128xf32, #tpu.memory_space<hbm>>
      %dma_start3A_449 = tpu.memref_squeeze %dma_start3A_448 : memref<1x32x128xf32, #tpu.memory_space<hbm>> -> memref<32x128xf32, #tpu.memory_space<hbm>>
      %dma_start3A_450 = arith.constant 0 : i32
      %dma_start3A_451 = tpu.memref_slice %arg4[%shift_right_arithmetic3A_1, %add3A_255, %dma_start3A_450] : memref<16x4096x128xf32, #tpu.memory_space<hbm>> -> memref<1x32x128xf32, #tpu.memory_space<hbm>>
      %dma_start3A_452 = tpu.memref_squeeze %dma_start3A_451 : memref<1x32x128xf32, #tpu.memory_space<hbm>> -> memref<32x128xf32, #tpu.memory_space<hbm>>
      %dma_start3A_453 = arith.constant 128 : i32
      %dma_start3A_454 = arith.constant 0 : i32
      %dma_start3A_455 = tpu.memref_slice %arg7[%dma_start3A_453, %dma_start3A_454] : memref<192x128xf32, #tpu.memory_space<vmem>> -> memref<32x128xf32, #tpu.memory_space<vmem>>
      tpu.enqueue_dma source(%dma_start3A_455 : memref<32x128xf32, #tpu.memory_space<vmem>>) target(%dma_start3A_452 : memref<32x128xf32, #tpu.memory_space<hbm>>) target_semaphore(%arg8 : memref<!tpu.dma_semaphore, #tpu.memory_space<semaphore_mem>>)
    } else {
    }
    %shift_right_arithmetic3A_265 = arith.constant 5 : i32
    %shift_right_arithmetic3A_266 = arith.shrsi %and3A_248, %shift_right_arithmetic3A_265 : i32
    %shift_left3A_267 = arith.constant 5 : i32
    %shift_left3A_268 = arith.shli %shift_right_arithmetic3A_266, %shift_left3A_267 : i32
    %add3A_269 = arith.addi %add3A_250, %shift_left3A_268 : i32
    %shift_right_arithmetic3A_270 = arith.constant 4 : i32
    %shift_right_arithmetic3A_271 = arith.shrsi %and3A_248, %shift_right_arithmetic3A_270 : i32
    %and3A_272 = arith.constant 1 : i32
    %and3A_273 = arith.andi %shift_right_arithmetic3A_271, %and3A_272 : i32
    %eq3A_274 = arith.constant 1 : i32
    %eq3A_275 = arith.cmpi eq, %and3A_273, %eq3A_274 : i32
    %convert_element_type3A_276 = arith.extui %eq3A_275 : i1 to i32
    %cond3A_277 = arith.constant 0 : i32
    %cond3A_278 = arith.cmpi ne, %convert_element_type3A_276, %cond3A_277 : i32
    scf.if %cond3A_278 {
      %dma_start3A_444 = arith.constant 128 : i32
      %dma_start3A_445 = arith.constant 0 : i32
      %dma_start3A_446 = tpu.memref_slice %arg7[%dma_start3A_444, %dma_start3A_445] : memref<192x128xf32, #tpu.memory_space<vmem>> -> memref<16x128xf32, #tpu.memory_space<vmem>>
      %dma_start3A_447 = arith.constant 0 : i32
      %dma_start3A_448 = tpu.memref_slice %arg4[%shift_right_arithmetic3A_1, %add3A_269, %dma_start3A_447] : memref<16x4096x128xf32, #tpu.memory_space<hbm>> -> memref<1x16x128xf32, #tpu.memory_space<hbm>>
      %dma_start3A_449 = tpu.memref_squeeze %dma_start3A_448 : memref<1x16x128xf32, #tpu.memory_space<hbm>> -> memref<16x128xf32, #tpu.memory_space<hbm>>
      %dma_start3A_450 = arith.constant 0 : i32
      %dma_start3A_451 = tpu.memref_slice %arg4[%shift_right_arithmetic3A_1, %add3A_269, %dma_start3A_450] : memref<16x4096x128xf32, #tpu.memory_space<hbm>> -> memref<1x16x128xf32, #tpu.memory_space<hbm>>
      %dma_start3A_452 = tpu.memref_squeeze %dma_start3A_451 : memref<1x16x128xf32, #tpu.memory_space<hbm>> -> memref<16x128xf32, #tpu.memory_space<hbm>>
      %dma_start3A_453 = arith.constant 128 : i32
      %dma_start3A_454 = arith.constant 0 : i32
      %dma_start3A_455 = tpu.memref_slice %arg7[%dma_start3A_453, %dma_start3A_454] : memref<192x128xf32, #tpu.memory_space<vmem>> -> memref<16x128xf32, #tpu.memory_space<vmem>>
      tpu.enqueue_dma source(%dma_start3A_455 : memref<16x128xf32, #tpu.memory_space<vmem>>) target(%dma_start3A_452 : memref<16x128xf32, #tpu.memory_space<hbm>>) target_semaphore(%arg8 : memref<!tpu.dma_semaphore, #tpu.memory_space<semaphore_mem>>)
    } else {
    }
    %shift_right_arithmetic3A_279 = arith.constant 4 : i32
    %shift_right_arithmetic3A_280 = arith.shrsi %and3A_248, %shift_right_arithmetic3A_279 : i32
    %shift_left3A_281 = arith.constant 4 : i32
    %shift_left3A_282 = arith.shli %shift_right_arithmetic3A_280, %shift_left3A_281 : i32
    %add3A_283 = arith.addi %add3A_250, %shift_left3A_282 : i32
    %shift_right_arithmetic3A_284 = arith.constant 3 : i32
    %shift_right_arithmetic3A_285 = arith.shrsi %and3A_248, %shift_right_arithmetic3A_284 : i32
    %and3A_286 = arith.constant 1 : i32
    %and3A_287 = arith.andi %shift_right_arithmetic3A_285, %and3A_286 : i32
    %eq3A_288 = arith.constant 1 : i32
    %eq3A_289 = arith.cmpi eq, %and3A_287, %eq3A_288 : i32
    %convert_element_type3A_290 = arith.extui %eq3A_289 : i1 to i32
    %cond3A_291 = arith.constant 0 : i32
    %cond3A_292 = arith.cmpi ne, %convert_element_type3A_290, %cond3A_291 : i32
    scf.if %cond3A_292 {
      %dma_start3A_444 = arith.constant 128 : i32
      %dma_start3A_445 = arith.constant 0 : i32
      %dma_start3A_446 = tpu.memref_slice %arg7[%dma_start3A_444, %dma_start3A_445] : memref<192x128xf32, #tpu.memory_space<vmem>> -> memref<8x128xf32, #tpu.memory_space<vmem>>
      %dma_start3A_447 = arith.constant 0 : i32
      %dma_start3A_448 = tpu.memref_slice %arg4[%shift_right_arithmetic3A_1, %add3A_283, %dma_start3A_447] : memref<16x4096x128xf32, #tpu.memory_space<hbm>> -> memref<1x8x128xf32, #tpu.memory_space<hbm>>
      %dma_start3A_449 = tpu.memref_squeeze %dma_start3A_448 : memref<1x8x128xf32, #tpu.memory_space<hbm>> -> memref<8x128xf32, #tpu.memory_space<hbm>>
      %dma_start3A_450 = arith.constant 0 : i32
      %dma_start3A_451 = tpu.memref_slice %arg4[%shift_right_arithmetic3A_1, %add3A_283, %dma_start3A_450] : memref<16x4096x128xf32, #tpu.memory_space<hbm>> -> memref<1x8x128xf32, #tpu.memory_space<hbm>>
      %dma_start3A_452 = tpu.memref_squeeze %dma_start3A_451 : memref<1x8x128xf32, #tpu.memory_space<hbm>> -> memref<8x128xf32, #tpu.memory_space<hbm>>
      %dma_start3A_453 = arith.constant 128 : i32
      %dma_start3A_454 = arith.constant 0 : i32
      %dma_start3A_455 = tpu.memref_slice %arg7[%dma_start3A_453, %dma_start3A_454] : memref<192x128xf32, #tpu.memory_space<vmem>> -> memref<8x128xf32, #tpu.memory_space<vmem>>
      tpu.enqueue_dma source(%dma_start3A_455 : memref<8x128xf32, #tpu.memory_space<vmem>>) target(%dma_start3A_452 : memref<8x128xf32, #tpu.memory_space<hbm>>) target_semaphore(%arg8 : memref<!tpu.dma_semaphore, #tpu.memory_space<semaphore_mem>>)
    } else {
    }
    %shift_right_arithmetic3A_293 = arith.constant 3 : i32
    %shift_right_arithmetic3A_294 = arith.shrsi %and3A_248, %shift_right_arithmetic3A_293 : i32
    %shift_left3A_295 = arith.constant 3 : i32
    %shift_left3A_296 = arith.shli %shift_right_arithmetic3A_294, %shift_left3A_295 : i32
    %add3A_297 = arith.addi %add3A_250, %shift_left3A_296 : i32
    %shift_right_arithmetic3A_298 = arith.constant 2 : i32
    %shift_right_arithmetic3A_299 = arith.shrsi %and3A_248, %shift_right_arithmetic3A_298 : i32
    %and3A_300 = arith.constant 1 : i32
    %and3A_301 = arith.andi %shift_right_arithmetic3A_299, %and3A_300 : i32
    %eq3A_302 = arith.constant 1 : i32
    %eq3A_303 = arith.cmpi eq, %and3A_301, %eq3A_302 : i32
    %convert_element_type3A_304 = arith.extui %eq3A_303 : i1 to i32
    %cond3A_305 = arith.constant 0 : i32
    %cond3A_306 = arith.cmpi ne, %convert_element_type3A_304, %cond3A_305 : i32
    scf.if %cond3A_306 {
      %dma_start3A_444 = arith.constant 128 : i32
      %dma_start3A_445 = arith.constant 0 : i32
      %dma_start3A_446 = tpu.memref_slice %arg7[%dma_start3A_444, %dma_start3A_445] : memref<192x128xf32, #tpu.memory_space<vmem>> -> memref<4x128xf32, #tpu.memory_space<vmem>>
      %dma_start3A_447 = arith.constant 0 : i32
      %dma_start3A_448 = tpu.memref_slice %arg4[%shift_right_arithmetic3A_1, %add3A_297, %dma_start3A_447] : memref<16x4096x128xf32, #tpu.memory_space<hbm>> -> memref<1x4x128xf32, #tpu.memory_space<hbm>>
      %dma_start3A_449 = tpu.memref_squeeze %dma_start3A_448 : memref<1x4x128xf32, #tpu.memory_space<hbm>> -> memref<4x128xf32, #tpu.memory_space<hbm>>
      %dma_start3A_450 = arith.constant 0 : i32
      %dma_start3A_451 = tpu.memref_slice %arg4[%shift_right_arithmetic3A_1, %add3A_297, %dma_start3A_450] : memref<16x4096x128xf32, #tpu.memory_space<hbm>> -> memref<1x4x128xf32, #tpu.memory_space<hbm>>
      %dma_start3A_452 = tpu.memref_squeeze %dma_start3A_451 : memref<1x4x128xf32, #tpu.memory_space<hbm>> -> memref<4x128xf32, #tpu.memory_space<hbm>>
      %dma_start3A_453 = arith.constant 128 : i32
      %dma_start3A_454 = arith.constant 0 : i32
      %dma_start3A_455 = tpu.memref_slice %arg7[%dma_start3A_453, %dma_start3A_454] : memref<192x128xf32, #tpu.memory_space<vmem>> -> memref<4x128xf32, #tpu.memory_space<vmem>>
      tpu.enqueue_dma source(%dma_start3A_455 : memref<4x128xf32, #tpu.memory_space<vmem>>) target(%dma_start3A_452 : memref<4x128xf32, #tpu.memory_space<hbm>>) target_semaphore(%arg8 : memref<!tpu.dma_semaphore, #tpu.memory_space<semaphore_mem>>)
    } else {
    }
    %shift_right_arithmetic3A_307 = arith.constant 2 : i32
    %shift_right_arithmetic3A_308 = arith.shrsi %and3A_248, %shift_right_arithmetic3A_307 : i32
    %shift_left3A_309 = arith.constant 2 : i32
    %shift_left3A_310 = arith.shli %shift_right_arithmetic3A_308, %shift_left3A_309 : i32
    %add3A_311 = arith.addi %add3A_250, %shift_left3A_310 : i32
    %shift_right_arithmetic3A_312 = arith.constant 1 : i32
    %shift_right_arithmetic3A_313 = arith.shrsi %and3A_248, %shift_right_arithmetic3A_312 : i32
    %and3A_314 = arith.constant 1 : i32
    %and3A_315 = arith.andi %shift_right_arithmetic3A_313, %and3A_314 : i32
    %eq3A_316 = arith.constant 1 : i32
    %eq3A_317 = arith.cmpi eq, %and3A_315, %eq3A_316 : i32
    %convert_element_type3A_318 = arith.extui %eq3A_317 : i1 to i32
    %cond3A_319 = arith.constant 0 : i32
    %cond3A_320 = arith.cmpi ne, %convert_element_type3A_318, %cond3A_319 : i32
    scf.if %cond3A_320 {
      %dma_start3A_444 = arith.constant 128 : i32
      %dma_start3A_445 = arith.constant 0 : i32
      %dma_start3A_446 = tpu.memref_slice %arg7[%dma_start3A_444, %dma_start3A_445] : memref<192x128xf32, #tpu.memory_space<vmem>> -> memref<2x128xf32, #tpu.memory_space<vmem>>
      %dma_start3A_447 = arith.constant 0 : i32
      %dma_start3A_448 = tpu.memref_slice %arg4[%shift_right_arithmetic3A_1, %add3A_311, %dma_start3A_447] : memref<16x4096x128xf32, #tpu.memory_space<hbm>> -> memref<1x2x128xf32, #tpu.memory_space<hbm>>
      %dma_start3A_449 = tpu.memref_squeeze %dma_start3A_448 : memref<1x2x128xf32, #tpu.memory_space<hbm>> -> memref<2x128xf32, #tpu.memory_space<hbm>>
      %dma_start3A_450 = arith.constant 0 : i32
      %dma_start3A_451 = tpu.memref_slice %arg4[%shift_right_arithmetic3A_1, %add3A_311, %dma_start3A_450] : memref<16x4096x128xf32, #tpu.memory_space<hbm>> -> memref<1x2x128xf32, #tpu.memory_space<hbm>>
      %dma_start3A_452 = tpu.memref_squeeze %dma_start3A_451 : memref<1x2x128xf32, #tpu.memory_space<hbm>> -> memref<2x128xf32, #tpu.memory_space<hbm>>
      %dma_start3A_453 = arith.constant 128 : i32
      %dma_start3A_454 = arith.constant 0 : i32
      %dma_start3A_455 = tpu.memref_slice %arg7[%dma_start3A_453, %dma_start3A_454] : memref<192x128xf32, #tpu.memory_space<vmem>> -> memref<2x128xf32, #tpu.memory_space<vmem>>
      tpu.enqueue_dma source(%dma_start3A_455 : memref<2x128xf32, #tpu.memory_space<vmem>>) target(%dma_start3A_452 : memref<2x128xf32, #tpu.memory_space<hbm>>) target_semaphore(%arg8 : memref<!tpu.dma_semaphore, #tpu.memory_space<semaphore_mem>>)
    } else {
    }
    %shift_right_arithmetic3A_321 = arith.constant 1 : i32
    %shift_right_arithmetic3A_322 = arith.shrsi %and3A_248, %shift_right_arithmetic3A_321 : i32
    %shift_left3A_323 = arith.constant 1 : i32
    %shift_left3A_324 = arith.shli %shift_right_arithmetic3A_322, %shift_left3A_323 : i32
    %add3A_325 = arith.addi %add3A_250, %shift_left3A_324 : i32
    %shift_right_arithmetic3A_326 = arith.constant 0 : i32
    %shift_right_arithmetic3A_327 = arith.shrsi %and3A_248, %shift_right_arithmetic3A_326 : i32
    %and3A_328 = arith.constant 1 : i32
    %and3A_329 = arith.andi %shift_right_arithmetic3A_327, %and3A_328 : i32
    %eq3A_330 = arith.constant 1 : i32
    %eq3A_331 = arith.cmpi eq, %and3A_329, %eq3A_330 : i32
    %convert_element_type3A_332 = arith.extui %eq3A_331 : i1 to i32
    %cond3A_333 = arith.constant 0 : i32
    %cond3A_334 = arith.cmpi ne, %convert_element_type3A_332, %cond3A_333 : i32
    scf.if %cond3A_334 {
      %dma_start3A_444 = arith.constant 128 : i32
      %dma_start3A_445 = arith.constant 0 : i32
      %dma_start3A_446 = tpu.memref_slice %arg7[%dma_start3A_444, %dma_start3A_445] : memref<192x128xf32, #tpu.memory_space<vmem>> -> memref<1x128xf32, #tpu.memory_space<vmem>>
      %dma_start3A_447 = arith.constant 0 : i32
      %dma_start3A_448 = tpu.memref_slice %arg4[%shift_right_arithmetic3A_1, %add3A_325, %dma_start3A_447] : memref<16x4096x128xf32, #tpu.memory_space<hbm>> -> memref<1x1x128xf32, #tpu.memory_space<hbm>>
      %dma_start3A_449 = tpu.memref_squeeze %dma_start3A_448 : memref<1x1x128xf32, #tpu.memory_space<hbm>> -> memref<1x128xf32, #tpu.memory_space<hbm>>
      %dma_start3A_450 = arith.constant 0 : i32
      %dma_start3A_451 = tpu.memref_slice %arg4[%shift_right_arithmetic3A_1, %add3A_325, %dma_start3A_450] : memref<16x4096x128xf32, #tpu.memory_space<hbm>> -> memref<1x1x128xf32, #tpu.memory_space<hbm>>
      %dma_start3A_452 = tpu.memref_squeeze %dma_start3A_451 : memref<1x1x128xf32, #tpu.memory_space<hbm>> -> memref<1x128xf32, #tpu.memory_space<hbm>>
      %dma_start3A_453 = arith.constant 128 : i32
      %dma_start3A_454 = arith.constant 0 : i32
      %dma_start3A_455 = tpu.memref_slice %arg7[%dma_start3A_453, %dma_start3A_454] : memref<192x128xf32, #tpu.memory_space<vmem>> -> memref<1x128xf32, #tpu.memory_space<vmem>>
      tpu.enqueue_dma source(%dma_start3A_455 : memref<1x128xf32, #tpu.memory_space<vmem>>) target(%dma_start3A_452 : memref<1x128xf32, #tpu.memory_space<hbm>>) target_semaphore(%arg8 : memref<!tpu.dma_semaphore, #tpu.memory_space<semaphore_mem>>)
    } else {
    }
    %sub3A_335 = arith.subi %add3A_132, %min3A_134 : i32
    %shift_right_arithmetic3A_336 = arith.constant 6 : i32
    %shift_right_arithmetic3A_337 = arith.shrsi %sub3A_335, %shift_right_arithmetic3A_336 : i32
    %while3A_338 = arith.constant 0 : i32
    %while3A_339 = arith.constant 0 : i32
    %while3A_340 = arith.subi %shift_right_arithmetic3A_337, %while3A_338 : i32
    %while3A_341 = arith.addi %while3A_338, %while3A_340 : i32
    %while3A_342 = arith.constant 1 : i32
    %while3A_343 = arith.divsi %while3A_340, %while3A_342 : i32
    %while3A_344 = arith.muli %while3A_343, %while3A_342 : i32
    %while3A_345 = arith.addi %while3A_338, %while3A_344 : i32
    %while3A_346 = arith.constant 1 : i32
    %while3A_347 = scf.for %while3A_444 = %while3A_338 to %while3A_345 step %while3A_346 iter_args(%while3A_445 = %while3A_339) -> (i32)  : i32 {
      %shift_left3A_446 = arith.constant 6 : i32
      %shift_left3A_447 = arith.shli %while3A_444, %shift_left3A_446 : i32
      %add3A_448 = arith.addi %min3A_134, %shift_left3A_447 : i32
      %dma_start3A_449 = arith.constant 0 : i32
      %dma_start3A_450 = arith.constant 0 : i32
      %dma_start3A_451 = tpu.memref_slice %arg7[%dma_start3A_449, %dma_start3A_450] : memref<192x128xf32, #tpu.memory_space<vmem>> -> memref<64x128xf32, #tpu.memory_space<vmem>>
      %dma_start3A_452 = arith.constant 0 : i32
      %dma_start3A_453 = tpu.memref_slice %arg4[%shift_right_arithmetic3A_1, %add3A_448, %dma_start3A_452] : memref<16x4096x128xf32, #tpu.memory_space<hbm>> -> memref<1x64x128xf32, #tpu.memory_space<hbm>>
      %dma_start3A_454 = tpu.memref_squeeze %dma_start3A_453 : memref<1x64x128xf32, #tpu.memory_space<hbm>> -> memref<64x128xf32, #tpu.memory_space<hbm>>
      %dma_start3A_455 = arith.constant 0 : i32
      %dma_start3A_456 = tpu.memref_slice %arg4[%shift_right_arithmetic3A_1, %add3A_448, %dma_start3A_455] : memref<16x4096x128xf32, #tpu.memory_space<hbm>> -> memref<1x64x128xf32, #tpu.memory_space<hbm>>
      %dma_start3A_457 = tpu.memref_squeeze %dma_start3A_456 : memref<1x64x128xf32, #tpu.memory_space<hbm>> -> memref<64x128xf32, #tpu.memory_space<hbm>>
      %dma_start3A_458 = arith.constant 0 : i32
      %dma_start3A_459 = arith.constant 0 : i32
      %dma_start3A_460 = tpu.memref_slice %arg7[%dma_start3A_458, %dma_start3A_459] : memref<192x128xf32, #tpu.memory_space<vmem>> -> memref<64x128xf32, #tpu.memory_space<vmem>>
      tpu.enqueue_dma source(%dma_start3A_460 : memref<64x128xf32, #tpu.memory_space<vmem>>) target(%dma_start3A_457 : memref<64x128xf32, #tpu.memory_space<hbm>>) target_semaphore(%arg8 : memref<!tpu.dma_semaphore, #tpu.memory_space<semaphore_mem>>)
      %while3A_461 = arith.constant 0 : i32
      scf.yield %while3A_461 : i32
    }
    %while3A_348 = arith.constant 1 : i32
    %while3A_349 = scf.for %while3A_444 = %while3A_345 to %while3A_341 step %while3A_348 iter_args(%while3A_445 = %while3A_347) -> (i32)  : i32 {
      %shift_left3A_446 = arith.constant 6 : i32
      %shift_left3A_447 = arith.shli %while3A_444, %shift_left3A_446 : i32
      %add3A_448 = arith.addi %min3A_134, %shift_left3A_447 : i32
      %dma_start3A_449 = arith.constant 0 : i32
      %dma_start3A_450 = arith.constant 0 : i32
      %dma_start3A_451 = tpu.memref_slice %arg7[%dma_start3A_449, %dma_start3A_450] : memref<192x128xf32, #tpu.memory_space<vmem>> -> memref<64x128xf32, #tpu.memory_space<vmem>>
      %dma_start3A_452 = arith.constant 0 : i32
      %dma_start3A_453 = tpu.memref_slice %arg4[%shift_right_arithmetic3A_1, %add3A_448, %dma_start3A_452] : memref<16x4096x128xf32, #tpu.memory_space<hbm>> -> memref<1x64x128xf32, #tpu.memory_space<hbm>>
      %dma_start3A_454 = tpu.memref_squeeze %dma_start3A_453 : memref<1x64x128xf32, #tpu.memory_space<hbm>> -> memref<64x128xf32, #tpu.memory_space<hbm>>
      %dma_start3A_455 = arith.constant 0 : i32
      %dma_start3A_456 = tpu.memref_slice %arg4[%shift_right_arithmetic3A_1, %add3A_448, %dma_start3A_455] : memref<16x4096x128xf32, #tpu.memory_space<hbm>> -> memref<1x64x128xf32, #tpu.memory_space<hbm>>
      %dma_start3A_457 = tpu.memref_squeeze %dma_start3A_456 : memref<1x64x128xf32, #tpu.memory_space<hbm>> -> memref<64x128xf32, #tpu.memory_space<hbm>>
      %dma_start3A_458 = arith.constant 0 : i32
      %dma_start3A_459 = arith.constant 0 : i32
      %dma_start3A_460 = tpu.memref_slice %arg7[%dma_start3A_458, %dma_start3A_459] : memref<192x128xf32, #tpu.memory_space<vmem>> -> memref<64x128xf32, #tpu.memory_space<vmem>>
      tpu.enqueue_dma source(%dma_start3A_460 : memref<64x128xf32, #tpu.memory_space<vmem>>) target(%dma_start3A_457 : memref<64x128xf32, #tpu.memory_space<hbm>>) target_semaphore(%arg8 : memref<!tpu.dma_semaphore, #tpu.memory_space<semaphore_mem>>)
      %while3A_461 = arith.constant 0 : i32
      scf.yield %while3A_461 : i32
    }
    %and3A_350 = arith.constant 63 : i32
    %and3A_351 = arith.andi %sub3A_335, %and3A_350 : i32
    %sub3A_352 = arith.subi %sub3A_335, %and3A_351 : i32
    %add3A_353 = arith.addi %min3A_134, %sub3A_352 : i32
    %shift_right_arithmetic3A_354 = arith.constant 6 : i32
    %shift_right_arithmetic3A_355 = arith.shrsi %and3A_351, %shift_right_arithmetic3A_354 : i32
    %shift_left3A_356 = arith.constant 6 : i32
    %shift_left3A_357 = arith.shli %shift_right_arithmetic3A_355, %shift_left3A_356 : i32
    %add3A_358 = arith.addi %add3A_353, %shift_left3A_357 : i32
    %shift_right_arithmetic3A_359 = arith.constant 5 : i32
    %shift_right_arithmetic3A_360 = arith.shrsi %and3A_351, %shift_right_arithmetic3A_359 : i32
    %and3A_361 = arith.constant 1 : i32
    %and3A_362 = arith.andi %shift_right_arithmetic3A_360, %and3A_361 : i32
    %eq3A_363 = arith.constant 1 : i32
    %eq3A_364 = arith.cmpi eq, %and3A_362, %eq3A_363 : i32
    %convert_element_type3A_365 = arith.extui %eq3A_364 : i1 to i32
    %cond3A_366 = arith.constant 0 : i32
    %cond3A_367 = arith.cmpi ne, %convert_element_type3A_365, %cond3A_366 : i32
    scf.if %cond3A_367 {
      %dma_start3A_444 = arith.constant 0 : i32
      %dma_start3A_445 = arith.constant 0 : i32
      %dma_start3A_446 = tpu.memref_slice %arg7[%dma_start3A_444, %dma_start3A_445] : memref<192x128xf32, #tpu.memory_space<vmem>> -> memref<32x128xf32, #tpu.memory_space<vmem>>
      %dma_start3A_447 = arith.constant 0 : i32
      %dma_start3A_448 = tpu.memref_slice %arg4[%shift_right_arithmetic3A_1, %add3A_358, %dma_start3A_447] : memref<16x4096x128xf32, #tpu.memory_space<hbm>> -> memref<1x32x128xf32, #tpu.memory_space<hbm>>
      %dma_start3A_449 = tpu.memref_squeeze %dma_start3A_448 : memref<1x32x128xf32, #tpu.memory_space<hbm>> -> memref<32x128xf32, #tpu.memory_space<hbm>>
      %dma_start3A_450 = arith.constant 0 : i32
      %dma_start3A_451 = tpu.memref_slice %arg4[%shift_right_arithmetic3A_1, %add3A_358, %dma_start3A_450] : memref<16x4096x128xf32, #tpu.memory_space<hbm>> -> memref<1x32x128xf32, #tpu.memory_space<hbm>>
      %dma_start3A_452 = tpu.memref_squeeze %dma_start3A_451 : memref<1x32x128xf32, #tpu.memory_space<hbm>> -> memref<32x128xf32, #tpu.memory_space<hbm>>
      %dma_start3A_453 = arith.constant 0 : i32
      %dma_start3A_454 = arith.constant 0 : i32
      %dma_start3A_455 = tpu.memref_slice %arg7[%dma_start3A_453, %dma_start3A_454] : memref<192x128xf32, #tpu.memory_space<vmem>> -> memref<32x128xf32, #tpu.memory_space<vmem>>
      tpu.enqueue_dma source(%dma_start3A_455 : memref<32x128xf32, #tpu.memory_space<vmem>>) target(%dma_start3A_452 : memref<32x128xf32, #tpu.memory_space<hbm>>) target_semaphore(%arg8 : memref<!tpu.dma_semaphore, #tpu.memory_space<semaphore_mem>>)
    } else {
    }
    %shift_right_arithmetic3A_368 = arith.constant 5 : i32
    %shift_right_arithmetic3A_369 = arith.shrsi %and3A_351, %shift_right_arithmetic3A_368 : i32
    %shift_left3A_370 = arith.constant 5 : i32
    %shift_left3A_371 = arith.shli %shift_right_arithmetic3A_369, %shift_left3A_370 : i32
    %add3A_372 = arith.addi %add3A_353, %shift_left3A_371 : i32
    %shift_right_arithmetic3A_373 = arith.constant 4 : i32
    %shift_right_arithmetic3A_374 = arith.shrsi %and3A_351, %shift_right_arithmetic3A_373 : i32
    %and3A_375 = arith.constant 1 : i32
    %and3A_376 = arith.andi %shift_right_arithmetic3A_374, %and3A_375 : i32
    %eq3A_377 = arith.constant 1 : i32
    %eq3A_378 = arith.cmpi eq, %and3A_376, %eq3A_377 : i32
    %convert_element_type3A_379 = arith.extui %eq3A_378 : i1 to i32
    %cond3A_380 = arith.constant 0 : i32
    %cond3A_381 = arith.cmpi ne, %convert_element_type3A_379, %cond3A_380 : i32
    scf.if %cond3A_381 {
      %dma_start3A_444 = arith.constant 0 : i32
      %dma_start3A_445 = arith.constant 0 : i32
      %dma_start3A_446 = tpu.memref_slice %arg7[%dma_start3A_444, %dma_start3A_445] : memref<192x128xf32, #tpu.memory_space<vmem>> -> memref<16x128xf32, #tpu.memory_space<vmem>>
      %dma_start3A_447 = arith.constant 0 : i32
      %dma_start3A_448 = tpu.memref_slice %arg4[%shift_right_arithmetic3A_1, %add3A_372, %dma_start3A_447] : memref<16x4096x128xf32, #tpu.memory_space<hbm>> -> memref<1x16x128xf32, #tpu.memory_space<hbm>>
      %dma_start3A_449 = tpu.memref_squeeze %dma_start3A_448 : memref<1x16x128xf32, #tpu.memory_space<hbm>> -> memref<16x128xf32, #tpu.memory_space<hbm>>
      %dma_start3A_450 = arith.constant 0 : i32
      %dma_start3A_451 = tpu.memref_slice %arg4[%shift_right_arithmetic3A_1, %add3A_372, %dma_start3A_450] : memref<16x4096x128xf32, #tpu.memory_space<hbm>> -> memref<1x16x128xf32, #tpu.memory_space<hbm>>
      %dma_start3A_452 = tpu.memref_squeeze %dma_start3A_451 : memref<1x16x128xf32, #tpu.memory_space<hbm>> -> memref<16x128xf32, #tpu.memory_space<hbm>>
      %dma_start3A_453 = arith.constant 0 : i32
      %dma_start3A_454 = arith.constant 0 : i32
      %dma_start3A_455 = tpu.memref_slice %arg7[%dma_start3A_453, %dma_start3A_454] : memref<192x128xf32, #tpu.memory_space<vmem>> -> memref<16x128xf32, #tpu.memory_space<vmem>>
      tpu.enqueue_dma source(%dma_start3A_455 : memref<16x128xf32, #tpu.memory_space<vmem>>) target(%dma_start3A_452 : memref<16x128xf32, #tpu.memory_space<hbm>>) target_semaphore(%arg8 : memref<!tpu.dma_semaphore, #tpu.memory_space<semaphore_mem>>)
    } else {
    }
    %shift_right_arithmetic3A_382 = arith.constant 4 : i32
    %shift_right_arithmetic3A_383 = arith.shrsi %and3A_351, %shift_right_arithmetic3A_382 : i32
    %shift_left3A_384 = arith.constant 4 : i32
    %shift_left3A_385 = arith.shli %shift_right_arithmetic3A_383, %shift_left3A_384 : i32
    %add3A_386 = arith.addi %add3A_353, %shift_left3A_385 : i32
    %shift_right_arithmetic3A_387 = arith.constant 3 : i32
    %shift_right_arithmetic3A_388 = arith.shrsi %and3A_351, %shift_right_arithmetic3A_387 : i32
    %and3A_389 = arith.constant 1 : i32
    %and3A_390 = arith.andi %shift_right_arithmetic3A_388, %and3A_389 : i32
    %eq3A_391 = arith.constant 1 : i32
    %eq3A_392 = arith.cmpi eq, %and3A_390, %eq3A_391 : i32
    %convert_element_type3A_393 = arith.extui %eq3A_392 : i1 to i32
    %cond3A_394 = arith.constant 0 : i32
    %cond3A_395 = arith.cmpi ne, %convert_element_type3A_393, %cond3A_394 : i32
    scf.if %cond3A_395 {
      %dma_start3A_444 = arith.constant 0 : i32
      %dma_start3A_445 = arith.constant 0 : i32
      %dma_start3A_446 = tpu.memref_slice %arg7[%dma_start3A_444, %dma_start3A_445] : memref<192x128xf32, #tpu.memory_space<vmem>> -> memref<8x128xf32, #tpu.memory_space<vmem>>
      %dma_start3A_447 = arith.constant 0 : i32
      %dma_start3A_448 = tpu.memref_slice %arg4[%shift_right_arithmetic3A_1, %add3A_386, %dma_start3A_447] : memref<16x4096x128xf32, #tpu.memory_space<hbm>> -> memref<1x8x128xf32, #tpu.memory_space<hbm>>
      %dma_start3A_449 = tpu.memref_squeeze %dma_start3A_448 : memref<1x8x128xf32, #tpu.memory_space<hbm>> -> memref<8x128xf32, #tpu.memory_space<hbm>>
      %dma_start3A_450 = arith.constant 0 : i32
      %dma_start3A_451 = tpu.memref_slice %arg4[%shift_right_arithmetic3A_1, %add3A_386, %dma_start3A_450] : memref<16x4096x128xf32, #tpu.memory_space<hbm>> -> memref<1x8x128xf32, #tpu.memory_space<hbm>>
      %dma_start3A_452 = tpu.memref_squeeze %dma_start3A_451 : memref<1x8x128xf32, #tpu.memory_space<hbm>> -> memref<8x128xf32, #tpu.memory_space<hbm>>
      %dma_start3A_453 = arith.constant 0 : i32
      %dma_start3A_454 = arith.constant 0 : i32
      %dma_start3A_455 = tpu.memref_slice %arg7[%dma_start3A_453, %dma_start3A_454] : memref<192x128xf32, #tpu.memory_space<vmem>> -> memref<8x128xf32, #tpu.memory_space<vmem>>
      tpu.enqueue_dma source(%dma_start3A_455 : memref<8x128xf32, #tpu.memory_space<vmem>>) target(%dma_start3A_452 : memref<8x128xf32, #tpu.memory_space<hbm>>) target_semaphore(%arg8 : memref<!tpu.dma_semaphore, #tpu.memory_space<semaphore_mem>>)
    } else {
    }
    %shift_right_arithmetic3A_396 = arith.constant 3 : i32
    %shift_right_arithmetic3A_397 = arith.shrsi %and3A_351, %shift_right_arithmetic3A_396 : i32
    %shift_left3A_398 = arith.constant 3 : i32
    %shift_left3A_399 = arith.shli %shift_right_arithmetic3A_397, %shift_left3A_398 : i32
    %add3A_400 = arith.addi %add3A_353, %shift_left3A_399 : i32
    %shift_right_arithmetic3A_401 = arith.constant 2 : i32
    %shift_right_arithmetic3A_402 = arith.shrsi %and3A_351, %shift_right_arithmetic3A_401 : i32
    %and3A_403 = arith.constant 1 : i32
    %and3A_404 = arith.andi %shift_right_arithmetic3A_402, %and3A_403 : i32
    %eq3A_405 = arith.constant 1 : i32
    %eq3A_406 = arith.cmpi eq, %and3A_404, %eq3A_405 : i32
    %convert_element_type3A_407 = arith.extui %eq3A_406 : i1 to i32
    %cond3A_408 = arith.constant 0 : i32
    %cond3A_409 = arith.cmpi ne, %convert_element_type3A_407, %cond3A_408 : i32
    scf.if %cond3A_409 {
      %dma_start3A_444 = arith.constant 0 : i32
      %dma_start3A_445 = arith.constant 0 : i32
      %dma_start3A_446 = tpu.memref_slice %arg7[%dma_start3A_444, %dma_start3A_445] : memref<192x128xf32, #tpu.memory_space<vmem>> -> memref<4x128xf32, #tpu.memory_space<vmem>>
      %dma_start3A_447 = arith.constant 0 : i32
      %dma_start3A_448 = tpu.memref_slice %arg4[%shift_right_arithmetic3A_1, %add3A_400, %dma_start3A_447] : memref<16x4096x128xf32, #tpu.memory_space<hbm>> -> memref<1x4x128xf32, #tpu.memory_space<hbm>>
      %dma_start3A_449 = tpu.memref_squeeze %dma_start3A_448 : memref<1x4x128xf32, #tpu.memory_space<hbm>> -> memref<4x128xf32, #tpu.memory_space<hbm>>
      %dma_start3A_450 = arith.constant 0 : i32
      %dma_start3A_451 = tpu.memref_slice %arg4[%shift_right_arithmetic3A_1, %add3A_400, %dma_start3A_450] : memref<16x4096x128xf32, #tpu.memory_space<hbm>> -> memref<1x4x128xf32, #tpu.memory_space<hbm>>
      %dma_start3A_452 = tpu.memref_squeeze %dma_start3A_451 : memref<1x4x128xf32, #tpu.memory_space<hbm>> -> memref<4x128xf32, #tpu.memory_space<hbm>>
      %dma_start3A_453 = arith.constant 0 : i32
      %dma_start3A_454 = arith.constant 0 : i32
      %dma_start3A_455 = tpu.memref_slice %arg7[%dma_start3A_453, %dma_start3A_454] : memref<192x128xf32, #tpu.memory_space<vmem>> -> memref<4x128xf32, #tpu.memory_space<vmem>>
      tpu.enqueue_dma source(%dma_start3A_455 : memref<4x128xf32, #tpu.memory_space<vmem>>) target(%dma_start3A_452 : memref<4x128xf32, #tpu.memory_space<hbm>>) target_semaphore(%arg8 : memref<!tpu.dma_semaphore, #tpu.memory_space<semaphore_mem>>)
    } else {
    }
    %shift_right_arithmetic3A_410 = arith.constant 2 : i32
    %shift_right_arithmetic3A_411 = arith.shrsi %and3A_351, %shift_right_arithmetic3A_410 : i32
    %shift_left3A_412 = arith.constant 2 : i32
    %shift_left3A_413 = arith.shli %shift_right_arithmetic3A_411, %shift_left3A_412 : i32
    %add3A_414 = arith.addi %add3A_353, %shift_left3A_413 : i32
    %shift_right_arithmetic3A_415 = arith.constant 1 : i32
    %shift_right_arithmetic3A_416 = arith.shrsi %and3A_351, %shift_right_arithmetic3A_415 : i32
    %and3A_417 = arith.constant 1 : i32
    %and3A_418 = arith.andi %shift_right_arithmetic3A_416, %and3A_417 : i32
    %eq3A_419 = arith.constant 1 : i32
    %eq3A_420 = arith.cmpi eq, %and3A_418, %eq3A_419 : i32
    %convert_element_type3A_421 = arith.extui %eq3A_420 : i1 to i32
    %cond3A_422 = arith.constant 0 : i32
    %cond3A_423 = arith.cmpi ne, %convert_element_type3A_421, %cond3A_422 : i32
    scf.if %cond3A_423 {
      %dma_start3A_444 = arith.constant 0 : i32
      %dma_start3A_445 = arith.constant 0 : i32
      %dma_start3A_446 = tpu.memref_slice %arg7[%dma_start3A_444, %dma_start3A_445] : memref<192x128xf32, #tpu.memory_space<vmem>> -> memref<2x128xf32, #tpu.memory_space<vmem>>
      %dma_start3A_447 = arith.constant 0 : i32
      %dma_start3A_448 = tpu.memref_slice %arg4[%shift_right_arithmetic3A_1, %add3A_414, %dma_start3A_447] : memref<16x4096x128xf32, #tpu.memory_space<hbm>> -> memref<1x2x128xf32, #tpu.memory_space<hbm>>
      %dma_start3A_449 = tpu.memref_squeeze %dma_start3A_448 : memref<1x2x128xf32, #tpu.memory_space<hbm>> -> memref<2x128xf32, #tpu.memory_space<hbm>>
      %dma_start3A_450 = arith.constant 0 : i32
      %dma_start3A_451 = tpu.memref_slice %arg4[%shift_right_arithmetic3A_1, %add3A_414, %dma_start3A_450] : memref<16x4096x128xf32, #tpu.memory_space<hbm>> -> memref<1x2x128xf32, #tpu.memory_space<hbm>>
      %dma_start3A_452 = tpu.memref_squeeze %dma_start3A_451 : memref<1x2x128xf32, #tpu.memory_space<hbm>> -> memref<2x128xf32, #tpu.memory_space<hbm>>
      %dma_start3A_453 = arith.constant 0 : i32
      %dma_start3A_454 = arith.constant 0 : i32
      %dma_start3A_455 = tpu.memref_slice %arg7[%dma_start3A_453, %dma_start3A_454] : memref<192x128xf32, #tpu.memory_space<vmem>> -> memref<2x128xf32, #tpu.memory_space<vmem>>
      tpu.enqueue_dma source(%dma_start3A_455 : memref<2x128xf32, #tpu.memory_space<vmem>>) target(%dma_start3A_452 : memref<2x128xf32, #tpu.memory_space<hbm>>) target_semaphore(%arg8 : memref<!tpu.dma_semaphore, #tpu.memory_space<semaphore_mem>>)
    } else {
    }
    %shift_right_arithmetic3A_424 = arith.constant 1 : i32
    %shift_right_arithmetic3A_425 = arith.shrsi %and3A_351, %shift_right_arithmetic3A_424 : i32
    %shift_left3A_426 = arith.constant 1 : i32
    %shift_left3A_427 = arith.shli %shift_right_arithmetic3A_425, %shift_left3A_426 : i32
    %add3A_428 = arith.addi %add3A_353, %shift_left3A_427 : i32
    %shift_right_arithmetic3A_429 = arith.constant 0 : i32
    %shift_right_arithmetic3A_430 = arith.shrsi %and3A_351, %shift_right_arithmetic3A_429 : i32
    %and3A_431 = arith.constant 1 : i32
    %and3A_432 = arith.andi %shift_right_arithmetic3A_430, %and3A_431 : i32
    %eq3A_433 = arith.constant 1 : i32
    %eq3A_434 = arith.cmpi eq, %and3A_432, %eq3A_433 : i32
    %convert_element_type3A_435 = arith.extui %eq3A_434 : i1 to i32
    %cond3A_436 = arith.constant 0 : i32
    %cond3A_437 = arith.cmpi ne, %convert_element_type3A_435, %cond3A_436 : i32
    scf.if %cond3A_437 {
      %dma_start3A_444 = arith.constant 0 : i32
      %dma_start3A_445 = arith.constant 0 : i32
      %dma_start3A_446 = tpu.memref_slice %arg7[%dma_start3A_444, %dma_start3A_445] : memref<192x128xf32, #tpu.memory_space<vmem>> -> memref<1x128xf32, #tpu.memory_space<vmem>>
      %dma_start3A_447 = arith.constant 0 : i32
      %dma_start3A_448 = tpu.memref_slice %arg4[%shift_right_arithmetic3A_1, %add3A_428, %dma_start3A_447] : memref<16x4096x128xf32, #tpu.memory_space<hbm>> -> memref<1x1x128xf32, #tpu.memory_space<hbm>>
      %dma_start3A_449 = tpu.memref_squeeze %dma_start3A_448 : memref<1x1x128xf32, #tpu.memory_space<hbm>> -> memref<1x128xf32, #tpu.memory_space<hbm>>
      %dma_start3A_450 = arith.constant 0 : i32
      %dma_start3A_451 = tpu.memref_slice %arg4[%shift_right_arithmetic3A_1, %add3A_428, %dma_start3A_450] : memref<16x4096x128xf32, #tpu.memory_space<hbm>> -> memref<1x1x128xf32, #tpu.memory_space<hbm>>
      %dma_start3A_452 = tpu.memref_squeeze %dma_start3A_451 : memref<1x1x128xf32, #tpu.memory_space<hbm>> -> memref<1x128xf32, #tpu.memory_space<hbm>>
      %dma_start3A_453 = arith.constant 0 : i32
      %dma_start3A_454 = arith.constant 0 : i32
      %dma_start3A_455 = tpu.memref_slice %arg7[%dma_start3A_453, %dma_start3A_454] : memref<192x128xf32, #tpu.memory_space<vmem>> -> memref<1x128xf32, #tpu.memory_space<vmem>>
      tpu.enqueue_dma source(%dma_start3A_455 : memref<1x128xf32, #tpu.memory_space<vmem>>) target(%dma_start3A_452 : memref<1x128xf32, #tpu.memory_space<hbm>>) target_semaphore(%arg8 : memref<!tpu.dma_semaphore, #tpu.memory_space<semaphore_mem>>)
    } else {
    }
    %dma_wait3A_438 = arith.constant 0 : i32
    %dma_wait3A_439 = tpu.memref_slice %arg4[%shift_right_arithmetic3A_1, %mul3A_130, %dma_wait3A_438] : memref<16x4096x128xf32, #tpu.memory_space<hbm>> -> memref<1x2048x128xf32, #tpu.memory_space<hbm>>
    %dma_wait3A_440 = tpu.memref_squeeze %dma_wait3A_439 : memref<1x2048x128xf32, #tpu.memory_space<hbm>> -> memref<2048x128xf32, #tpu.memory_space<hbm>>
    %dma_wait3A_441 = arith.constant 0 : i32
    %dma_wait3A_442 = tpu.memref_slice %arg4[%shift_right_arithmetic3A_1, %mul3A_130, %dma_wait3A_441] : memref<16x4096x128xf32, #tpu.memory_space<hbm>> -> memref<1x2048x128xf32, #tpu.memory_space<hbm>>
    %dma_wait3A_443 = tpu.memref_squeeze %dma_wait3A_442 : memref<1x2048x128xf32, #tpu.memory_space<hbm>> -> memref<2048x128xf32, #tpu.memory_space<hbm>>
    tpu.wait_dma2 semaphore(%arg8 : memref<!tpu.dma_semaphore, #tpu.memory_space<semaphore_mem>>) src(%dma_wait3A_443 : memref<2048x128xf32, #tpu.memory_space<hbm>>) dst(%dma_wait3A_440 : memref<2048x128xf32, #tpu.memory_space<hbm>>)
    return
  }
}

</mosaic_0001>

<sc_bundles>
// kernel: kernel.3.cloned.1.call-start
scs
__scs_entry_jumppad:
0x0: {  	(pc) =	sbr.rel $0x88, $3  }
0x1: {  	(tag) =	ssettag $0x0;
	lr =	simm.s32 $0x1  }
0x2: {  	[smem:$0x3F9F] =	sst lr;
	_ =	strace $0xD0000000  }
0x3: {  	_ = 	snop  }
0x4: {  	_ = 	snop  }
0x5: {  	_ = 	snop  }
0x6: {  	_ = 	snop  }
0x7: {  	_ = 	snop  }
__scs_overlays_trampoline_lowered:
0x8: {  	[smem:$0x3FAE] =	sst s0  }
0x9: {  	[smem:$0x3FAF] =	sst s1  }
0xa: {  	[smem:$0x3FB0] =	sst s2  }
0xb: {  	[smem:$0x3FB1] =	sst s3  }
0xc: {  	[smem:$0x3FB2] =	sst s4  }
0xd: {  	[smem:$0x3FB3] =	sst s5  }
0xe: {  	[smem:$0x3FB4] =	sst s6  }
0xf: {  	[smem:$0x3FB5] =	sst s7  }
0x10: {  	[smem:$0x3FB6] =	sst s8  }
0x11: {  	[smem:$0x3FB7] =	sst s9;
	s0 =	simm.s32 @!p0 $0x0  }
0x12: {  	s1 =	sld [smem:$0x3F9D];
	s0 =	simm.s32 @p0 $0x1  }
0x13: {  	[smem:$0x3FB8] =	sst s0;
	s0 =	simm.s32 @!p1 $0x0  }
0x14: {  	s2 =	sld [smem:$0x3F9C];
	s0 =	simm.s32 @p1 $0x1  }
0x15: {  	[smem:$0x3FB9] =	sst s0;
	s0 =	simm.s32 @!p2 $0x0  }
0x16: {  	s3 =	sld [smem:$0x3FDB];
	s0 =	simm.s32 @p2 $0x1  }
0x17: {  	s4 =	simm.s32 $0x1BF5;
	[smem:$0x3FBB] =	sst s0  }
0x18: {  	s0 =	sld [smem:$0x3F9E];
	_ =	swait.ge [sflag:s4], $0x0  }
0x19: {  	s7 =	sld [smem:$0x3F9F]  }
0x1a: {  	s8 =	sadd.s32 $0xFFFFE003, lr  }
0x1b: {  	s9 =	sadd.s32 $0xFFFFFEF7, lr;
	s5 =	simm.s32 $0xFFFFFFFF;
	p2 =	slt.u32 s8, $0xFFFFF086  }
0x1c: {  	p1 =	slt.u32 s9, $0xF7A;
	s5 =	simm.s32 @!p2 $0x0  }
0x1d: {  	s5 =	simm.s32 @p1 $0x1;
	p0 =	seq.s32 s7, s2  }
0x1e: {  	s7 =	smul.u32 @!p0 $0xF7A, s2;
	p2 =	seq.s32 @!p0 s5, $0x0  }
0x1f: {  	s9 =	smul.u32 $0xF7A, s1;
	s8 =	simm.s32 @!p0 $0x1BF5;
	p2 =	por !p2, p0  }
0x20: {  	[sflag:s8] =	ssyncset.s32 @!p0 $0xFFFFF086;
	s6 =	sadd.s32 @!p0 s3, s7;
	s7 =	simm.s32 @!p0 $0x108  }
0x21: {  	s3 =	sadd.s32 s3, s9;
	s6 =	sadd.s32 @!p0 $0x88, s6;
	s7 =	simm.s32 @p2 $0x1082  }
0x22: {  	[simem:s7], [sflag:s8] =	dma.local @!p0 [hbm:s6], $0xF7A  }
0x23: {  	s9 =	sor.u32 $0xD0000000, s2;
	s6 =	simm.s32 $0x108;
	_ =	swait.ge @!p0 [sflag:s8], $0x0  }
0x24: {  	s3 =	sadd.s32 $0x88, s3;
	s6 =	simm.s32 @!p1 $0x1082;
	[sflag:s4] =	ssyncset.s32 $0xFFFFF086  }
0x25: {  	[simem:s6], [sflag:s4] =	dma.local [hbm:s3], $0xF7A  }
0x26: {  	[smem:$0x3F9F] =	sst s1;
	(tag) =	ssettag s2;
	_ =	strace s9  }
0x27: {  	s1 =	sld [smem:$0x3FAF]  }
0x28: {  	s2 =	sld [smem:$0x3FB0]  }
0x29: {  	s4 =	sld [smem:$0x3FB2]  }
0x2a: {  	p0 =	seq.s32 s5, $0x0;
	s5 =	sld [smem:$0x3FB3]  }
0x2b: {  	s6 =	sld [smem:$0x3FB4]  }
0x2c: {  	s7 =	sld [smem:$0x3FB5]  }
0x2d: {  	s3 =	simm.s32 $0x108;
	s8 =	sld [smem:$0x3FB6]  }
0x2e: {  	s3 =	simm.s32 @!p0 $0x1082;
	s9 =	sld [smem:$0x3FB7]  }
0x2f: {  	lr =	sadd.s32 s0, s3;
	s0 =	sld [smem:$0x3FAE]  }
0x30: {  	s3 =	sld [smem:$0x3FB1]  }
0x31: {  	[smem:$0x3FBA] =	sst s10  }
0x32: {  	s10 =	sld [smem:$0x3FB8];
	_ =	sdelay $0x3  }
0x33: {  	p0 =	seq.s32 s10, $0x1;
	s10 =	sld [smem:$0x3FBA];
	_ =	sdelay $0x3  }
0x34: {  	[smem:$0x3FBA] =	sst s10  }
0x35: {  	s10 =	sld [smem:$0x3FB9];
	_ =	sdelay $0x3  }
0x36: {  	p1 =	seq.s32 s10, $0x1;
	s10 =	sld [smem:$0x3FBA];
	_ =	sdelay $0x3  }
0x37: {  	[smem:$0x3FBA] =	sst s10  }
0x38: {  	s10 =	sld [smem:$0x3FBB]  }
0x39: {  	_ = 	snop;
	(pc) =	sbr.ind lr, $3  }
0x3a: {  	_ = 	snop  }
0x3b: {  	_ = 	snop  }
0x3c: {  	p2 =	seq.s32 s10, $0x1;
	s10 =	sld [smem:$0x3FBA]  }
0x3d: {  	_ =	shalt  }
0x3e: {  	_ =	shalt  }
0x3f: {  	_ =	shalt  }
0x40: {  	_ =	shalt  }
0x41: {  	_ =	shalt  }
0x42: {  	_ =	shalt  }
0x43: {  	_ =	shalt  }
0x44: {  	_ =	shalt  }
0x45: {  	_ =	shalt  }
0x46: {  	_ =	shalt  }
0x47: {  	_ =	shalt  }
0x48: {  	_ =	shalt  }
0x49: {  	_ =	shalt  }
0x4a: {  	_ =	shalt  }
0x4b: {  	_ =	shalt  }
0x4c: {  	_ =	shalt  }
0x4d: {  	_ =	shalt  }
0x4e: {  	_ =	shalt  }
0x4f: {  	_ =	shalt  }
0x50: {  	_ =	shalt  }
0x51: {  	_ =	shalt  }
0x52: {  	_ =	shalt  }
0x53: {  	_ =	shalt  }
0x54: {  	_ =	shalt  }
0x55: {  	_ =	shalt  }
0x56: {  	_ =	shalt  }
0x57: {  	_ =	shalt  }
0x58: {  	_ =	shalt  }
0x59: {  	_ =	shalt  }
0x5a: {  	_ =	shalt  }
0x5b: {  	_ =	shalt  }
0x5c: {  	_ =	shalt  }
0x5d: {  	_ =	shalt  }
0x5e: {  	_ =	shalt  }
0x5f: {  	_ =	shalt  }
0x60: {  	_ =	shalt  }
0x61: {  	_ =	shalt  }
0x62: {  	_ =	shalt  }
0x63: {  	_ =	shalt  }
0x64: {  	_ =	shalt  }
0x65: {  	_ =	shalt  }
0x66: {  	_ =	shalt  }
0x67: {  	_ =	shalt  }
0x68: {  	_ =	shalt  }
0x69: {  	_ =	shalt  }
0x6a: {  	_ =	shalt  }
0x6b: {  	_ =	shalt  }
0x6c: {  	_ =	shalt  }
0x6d: {  	_ =	shalt  }
0x6e: {  	_ =	shalt  }
0x6f: {  	_ =	shalt  }
0x70: {  	_ =	shalt  }
0x71: {  	_ =	shalt  }
0x72: {  	_ =	shalt  }
0x73: {  	_ =	shalt  }
0x74: {  	_ =	shalt  }
0x75: {  	_ =	shalt  }
0x76: {  	_ =	shalt  }
0x77: {  	_ =	shalt  }
0x78: {  	_ =	shalt  }
0x79: {  	_ =	shalt  }
0x7a: {  	_ =	shalt  }
0x7b: {  	_ =	shalt  }
0x7c: {  	_ =	shalt  }
0x7d: {  	_ =	shalt  }
0x7e: {  	_ =	shalt  }
0x7f: {  	_ =	shalt  }
0x80: {  	_ =	shalt  }
0x81: {  	_ =	shalt  }
0x82: {  	_ =	shalt  }
0x83: {  	_ =	shalt  }
0x84: {  	_ =	shalt  }
0x85: {  	_ =	shalt  }
0x86: {  	_ =	shalt  }
0x87: {  	_ =	shalt  }
.Lfunc_end0:
.L_simem_size_0:
called_computation_lowered:
.L_overlay_start_0:
0x88: {  	s2 =	sld [smem:$0x3FD9]  }
0x89: {  	s3 =	sld [smem:$0x3FFE];
	_ =	sdelay $0x1  }
0x8a: {  	s1 =	srdreg.scid  }
0x8b: {  	s0 =	sand.u32 $0x1, s1  }
0x8c: {  	s17 =	sshll.u32 s0, $0xA;
	s2 =	sadd.s32 s3, s2  }
0x8d: {  	s2 =	sadd.s32 s2, s17  }
0x8e: {  	[smem:$0x3FC6] =	sst s2  }
0x8f: {  	_ = 	snop  }
0x90: {  	s2 =	sld [smem:$0x3FC8]  }
0x91: {  	s18 =	sld [smem:$0x3FD0];
	(tm) =	ssettm $0x1  }
0x92: {  	s4 =	sld [smem:$0x3FFB];
	_ =	sdelay $0x3  }
0x93: {  	_ =	strace s4  }
0x94: {  	s4 =	sld [smem:$0x3FFC];
	_ =	sdelay $0x3  }
0x95: {  	_ =	strace s4  }
0x96: {  	s4 =	sld [smem:$0x3FFD];
	_ =	sdelay $0x3  }
0x97: {  	_ =	strace s4  }
0x98: {  	_ =	strace $0x8FFFFFFF  }
0x99: {  	s19 =	sld [smem:$0x3FDB];
	_ =	sdelay $0x1  }
0x9a: {  	s5 =	simm.s32 $_scs_section_size  }
0x9b: {  	s6 =	simm.s32 $_size__tile_overlayer_lowered;
	s7 =	simm.s32 $_tile_overlayer_lowered  }
0x9c: {  	s22 =	simm.s32 $0x1BFF;
	s21 =	sshll.u32 s7, $0x1;
	s4 =	sadd.s32 s5, s19  }
0x9d: {  	s8 =	simm.s32 $0x0;
	s20 =	sshll.u32 s6, $0x1;
	s6 =	sadd.s32 s21, s4  }
0x9e: {  	[timem:s8], [sflag:s22] =	dma.local [hbm:s6], s20  }
0x9f: {  	_ =	swait.ge [sflag:s22], s20  }
0xa0: {  	s5 =	ssub.s32 $0x0, s20;
	[sflag:s22] =	ssyncset.done $0x0  }
0xa1: {  	[sflag:s22] =	ssyncadd.s32 s5;
	_ =	sdelay $0x1  }
0xa2: {  	s23 =	simm.s32 $0x1B8B  }
0xa3: {  	_ =	swait.ge [sflag:s23], $0x1  }
0xa4: {  	[sflag:s23] =	ssyncset.done $0x0  }
0xa5: {  	s25 =	simm.s32 $0x1B8E;
	s24 =	sld [smem:$0x3FFE];
	[sflag:s23] =	ssyncadd.s32 $0xFFFFFFFF  }
0xa6: {  	s26 =	simm.s32 $execute0_lowered;
	[smem:$0x3FD2] =	sst s25  }
0xa7: {  	s6 =	sshll.u32 s26, $0x1;
	_ =	strace $0x80000046;
	[dreg:$0x1] =	wrdreg $0xFFFFFFFF  }
0xa8: {  	s28 =	simm.s32 $_size_execute0_lowered;
	s4 =	sadd.s32 s4, s6;
	[dreg:$0x0] =	wrdreg $0x0  }
0xa9: {  	s6 =	sshll.u32 s28, $0x1;
	[dreg:$0x2] =	wrdreg s4  }
0xaa: {  	[dreg:$0x3] =	wrdreg s6  }
0xab: {  	[dreg:$0x4] =	wrdreg $0xC0  }
0xac: {  	_ =	task [dreg:s8], $0x5FFFF  }
0xad: {  	[dreg:$0x1] =	wrdreg $0xFFFFFFFF  }
0xae: {  	[dreg:$0x0] =	wrdreg $0x60  }
0xaf: {  	[dreg:$0x2] =	wrdreg s24  }
0xb0: {  	[dreg:$0x3] =	wrdreg s2  }
0xb1: {  	[dreg:$0x4] =	wrdreg s18  }
0xb2: {  	[dreg:$0x5] =	wrdreg $0x9  }
0xb3: {  	_ =	task.clear_ibuf [dreg:s8], $0x6FFFF;
	_ =	strace $0x90000046  }
0xb4: {  	s29 =	simm.s32 $0x9;
	_ =	strace $0x80000048  }
0xb5: {  	_ =	swait.ge [sflag:s29], $0x1  }
0xb6: {  	[sflag:s29] =	ssyncadd.s32 $0xFFFFFFFF  }
0xb7: {  	_ =	strace $0x90000048  }
0xb8: {  	_ =	sfence  }
0xb9: {  	s30 =	sld [smem:$0x0];
	_ =	sdelay $0x2  }
0xba: {  	s31 =	sshll.u32 s1, $0xD;
	s1 =	sshrl.u32 s1, $0x2  }
0xbb: {  	s3 =	sand.u32 $0x4000, s31;
	s1 =	sadd.s32 s1, s30  }
0xbc: {  	s0 =	sor.u32 s3, s0;
	s1 =	sshll.u32 s1, $0x11  }
0xbd: {  	s0 =	sor.u32 s1, s0  }
0xbe: {  	s0 =	sadd.s32 $0x8F2B, s0  }
0xbf: {  	[sflag:s0] =	ssyncadd.remote.s32 $0x1  }
0xc0: {  	_ =	sfence.sel $0xFFFF  }
0xc1: {  	[dreg:$0x0] =	wrdreg $0xFFFFFFFF;
	(pc) =	sbr.abs _section_cstart, $3  }
0xc2: {  	[dreg:$0x1] =	wrdreg $0xFFFFFFFF  }
0xc3: {  	_ =	task.clear_ibuf [dreg:s8], $0x2FFFF;
	_ =	strace $0x9FFFFFFF  }
0xc4: {  	(tm) =	ssettm $0x7FFFFFFF  }
0xc5: {  	_ =	shalt  }
tec
execute0_lowered:
.L_overlay_start_1:
0x0: {  	(tag) =	ssettag $0x1  }
0x1: {  	s6 =	rddreg [dreg:$0x0]  }
0x2: {  	s1 =	rddreg [dreg:$0x1]  }
0x3: {  	s2 =	rddreg [dreg:$0x2]  }
0x4: {  	s0 =	rddreg [dreg:$0x3]  }
0x5: {  	s4 =	simm.s32 $0x0;
	s5 =	srdreg.scid;
	s3 =	stileid.u32  }
0x6: {  	s12 =	simm.s32 $0x1;
	s13 =	simm.s32 $0x3180;
	s14 =	simm.s32 $0x5180  }
0x7: {  	s15 =	simm.s32 $0x1180;
	s16 =	simm.s32 $0x0;
	[smem:$0x7FF] =	sst s4  }
0x8: {  	s7 =	sand.u32 $0x1, s5;
	s8 =	sshll.u32 s3, $0x9;
	s5 =	sshll.u32 s3, $0x13  }
.Ltmp0:
0x9: {  	_ =	strace $0x80000047;
	s9 =	ssub.s32 $0x2, s7;
	(pc) =	sbr.rel .LBB2_1-.Ltmp0, $4  }
0xa: {  	s11 =	sshll.u32 s7, $0x12;
	s6 =	sadd.s32 s8, s6;
	s7 =	sshll.u32 s7, $0xB  }
0xb: {  	s10 =	sshrl.u32 s9, $0x1;
	s30 =	sor.u32 s11, s5;
	s6 =	sadd.s32 $0x400, s6  }
0xc: {  	s8 =	sadd.s32 $0x800, s7;
	s9 =	ssub.s32 s9, s10;
	s31 =	sshrl.u32 s30, $0x3  }
0xd: {  	v0 =	vlaneseq.u32;
	s11 =	simm.s32 $0x1000;
	s9 =	smax.u32 s9, $0x1;
	s10 =	sadd.s32 s31, s2  }
.LBB2_13:
0xe: {  	[hbm4b:s21+s4] =	stream.linear.scatter [tilespmem:s15], [sflag:$0x1], $0x2000, $0x38;
	[tilespmem:$0x7180] =	vst v63  }
.LBB2_14:
0xf: {  	s19 =	sand.u32 $0xFFFFFFC0, s18;
	s20 =	sand.u32 $0x20, s18  }
0x10: {  	s17 =	sadd.s32 s17, s19;
	p0 =	seq.s32 s20, $0x0  }
0x11: {  	s19 =	sshll.u32 @!p0 s17, $0x7  }
0x12: {  	s19 =	sadd.s32 @!p0 s5, s19  }
0x13: {  	s26 =	sand.u32 $0x10, s18;
	s19 =	sshrl.u32 @!p0 s19, $0x3  }
0x14: {  	s21 =	simm.s32 @!p0 $0x0;
	s22 =	simm.s32 @!p0 $0x1180;
	s19 =	sadd.s32 @!p0 s2, s19  }
0x15: {  	[hbm4b:s19+s21] =	stream.linear.scatter @!p0 [tilespmem:s22], [sflag:$0x1], $0x1000, $0x38;
	[tilespmem:$0x7180] =	vst v63  }
0x16: {  	p0 =	seq.s32 s26, $0x0  }
0x17: {  	s19 =	sadd.s32 @!p0 s20, s17  }
0x18: {  	s19 =	sshll.u32 @!p0 s19, $0x7  }
0x19: {  	s19 =	sadd.s32 @!p0 s5, s19  }
0x1a: {  	s28 =	sand.u32 $0x8, s18;
	s19 =	sshrl.u32 @!p0 s19, $0x3  }
0x1b: {  	s20 =	simm.s32 @!p0 $0x0;
	s21 =	simm.s32 @!p0 $0x1180;
	s19 =	sadd.s32 @!p0 s2, s19  }
0x1c: {  	[hbm4b:s19+s20] =	stream.linear.scatter @!p0 [tilespmem:s21], [sflag:$0x1], $0x800, $0x38;
	[tilespmem:$0x7180] =	vst v63  }
0x1d: {  	s20 =	sand.u32 $0x30, s18;
	p0 =	seq.s32 s28, $0x0  }
0x1e: {  	s19 =	sadd.s32 @!p0 s20, s17  }
0x1f: {  	s19 =	sshll.u32 @!p0 s19, $0x7  }
0x20: {  	s19 =	sadd.s32 @!p0 s5, s19  }
0x21: {  	s29 =	sand.u32 $0x4, s18;
	s19 =	sshrl.u32 @!p0 s19, $0x3  }
0x22: {  	s20 =	simm.s32 @!p0 $0x0;
	s21 =	simm.s32 @!p0 $0x1180;
	s19 =	sadd.s32 @!p0 s2, s19  }
0x23: {  	[hbm4b:s19+s20] =	stream.linear.scatter @!p0 [tilespmem:s21], [sflag:$0x1], $0x400, $0x38;
	[tilespmem:$0x7180] =	vst v63  }
0x24: {  	s20 =	sand.u32 $0x38, s18;
	p0 =	seq.s32 s29, $0x0  }
0x25: {  	s19 =	sadd.s32 @!p0 s20, s17  }
0x26: {  	s19 =	sshll.u32 @!p0 s19, $0x7  }
0x27: {  	s19 =	sadd.s32 @!p0 s5, s19  }
0x28: {  	s30 =	sand.u32 $0x2, s18;
	s19 =	sshrl.u32 @!p0 s19, $0x3  }
0x29: {  	s20 =	simm.s32 @!p0 $0x0;
	s21 =	simm.s32 @!p0 $0x1180;
	s19 =	sadd.s32 @!p0 s2, s19  }
0x2a: {  	[hbm4b:s19+s20] =	stream.linear.scatter @!p0 [tilespmem:s21], [sflag:$0x1], $0x200, $0x38;
	[tilespmem:$0x7180] =	vst v63  }
0x2b: {  	s20 =	sand.u32 $0x3C, s18;
	p0 =	seq.s32 s30, $0x0  }
0x2c: {  	s19 =	sadd.s32 @!p0 s20, s17  }
0x2d: {  	s19 =	sshll.u32 @!p0 s19, $0x7  }
0x2e: {  	s19 =	sadd.s32 @!p0 s5, s19  }
0x2f: {  	s31 =	sand.u32 $0x1, s18;
	s19 =	sshrl.u32 @!p0 s19, $0x3  }
0x30: {  	s20 =	simm.s32 @!p0 $0x0;
	s21 =	simm.s32 @!p0 $0x1180;
	s19 =	sadd.s32 @!p0 s2, s19  }
0x31: {  	[hbm4b:s19+s20] =	stream.linear.scatter @!p0 [tilespmem:s21], [sflag:$0x1], $0x100, $0x38;
	[tilespmem:$0x7180] =	vst v63  }
0x32: {  	s18 =	sand.u32 $0x3E, s18;
	p0 =	seq.s32 s31, $0x0  }
0x33: {  	s17 =	sadd.s32 @!p0 s18, s17  }
0x34: {  	s17 =	sshll.u32 @!p0 s17, $0x7  }
0x35: {  	s17 =	sadd.s32 @!p0 s5, s17  }
0x36: {  	s16 =	sadd.s32 $0x1, s16;
	s17 =	sshrl.u32 @!p0 s17, $0x3  }
0x37: {  	s18 =	simm.s32 @!p0 $0x0;
	s19 =	simm.s32 @!p0 $0x1180;
	s17 =	sadd.s32 @!p0 s2, s17  }
0x38: {  	[hbm4b:s17+s18] =	stream.linear.scatter @!p0 [tilespmem:s19], [sflag:$0x1], $0x80, $0x38;
	[tilespmem:$0x7180] =	vst v63  }
0x39: {  	p0 =	sne.s32 s16, s9  }
.Ltmp1:
0x3a: {  	_ = 	snop;
	(pc) =	sbr.rel @!p0 .LBB2_15-.Ltmp1, $4  }
0x3b: {  	_ = 	snop  }
0x3c: {  	_ =	swait.ge [sflag:s12], $0x8000  }
0x3d: {  	[sflag:s12] =	ssyncset.done $0x0  }
0x3e: {  	[sflag:s12] =	ssyncadd.s32 $0xFFFF8000  }
.LBB2_1:
0x3f: {  	[tilespmem:s11], [sflag:$0x1] =	stream.linear.gather [hbm4b:s1+s4], $0x180, $0x38;
	[tilespmem:$0x7180] =	vst v63  }
0x40: {  	_ = 	snop  }
0x41: {  	[tilespmem:s4], [sflag:$0x1] =	stream.linear.gather [hbm4b:s6+s4], $0x1000, $0x38;
	[tilespmem:$0x7180] =	vst v63  }
0x42: {  	_ =	swait.ge [sflag:s12], $0x180  }
0x43: {  	[sflag:s12] =	ssyncset.done $0x0  }
0x44: {  	[sflag:s12] =	ssyncadd.s32 $0xFFFFFE80  }
0x45: {  	_ =	swait.ge [sflag:s12], $0x1000  }
0x46: {  	[sflag:s12] =	ssyncset.done $0x0  }
0x47: {  	[sflag:s12] =	ssyncadd.s32 $0xFFFFF000  }
0x48: {  	v1 =	vld [tilespmem:$0x1000]  }
0x49: {  	v2 =	vld [tilespmem:$0x1010]  }
0x4a: {  	v3 =	vld [tilespmem:$0x1020]  }
0x4b: {  	v4 =	vld [tilespmem:$0x1030]  }
0x4c: {  	v5 =	vld [tilespmem:$0x1040]  }
0x4d: {  	v6 =	vld [tilespmem:$0x1050]  }
0x4e: {  	v7 =	vld [tilespmem:$0x1060]  }
0x4f: {  	v8 =	vld [tilespmem:$0x1070]  }
0x50: {  	v9 =	vld [tilespmem:$0x1080]  }
0x51: {  	v10 =	vld [tilespmem:$0x1090]  }
0x52: {  	v11 =	vld [tilespmem:$0x10A0]  }
0x53: {  	v12 =	vld [tilespmem:$0x10B0]  }
0x54: {  	v13 =	vld [tilespmem:$0x10C0]  }
0x55: {  	v14 =	vld [tilespmem:$0x10D0]  }
0x56: {  	v15 =	vld [tilespmem:$0x10E0]  }
0x57: {  	v16 =	vld [tilespmem:$0x10F0]  }
0x58: {  	v17 =	vld [tilespmem:$0x1100]  }
0x59: {  	v18 =	vld [tilespmem:$0x1110]  }
0x5a: {  	v20 =	vld [tilespmem:$0x1170]  }
0x5b: {  	v21 =	vld [tilespmem:$0x1160]  }
0x5c: {  	v22 =	vld [tilespmem:$0x1150]  }
0x5d: {  	v23 =	vld [tilespmem:$0x1140]  }
0x5e: {  	s19 =	simm.s32 $0x0;
	v24 =	vld [tilespmem:$0x1130]  }
0x5f: {  	v19 =	vld [tilespmem:$0x1120];
	[tilespmem:s19+$0x51F0] =	vst v20  }
0x60: {  	[tilespmem:s19+$0x51E0] =	vst v21  }
0x61: {  	[tilespmem:s19+$0x51D0] =	vst v22  }
0x62: {  	[tilespmem:s19+$0x51C0] =	vst v23  }
0x63: {  	[tilespmem:s19+$0x51B0] =	vst v24  }
0x64: {  	[tilespmem:s19+$0x51A0] =	vst v19  }
0x65: {  	[tilespmem:s19+$0x5190] =	vst v18  }
0x66: {  	[tilespmem:s19+$0x5180] =	vst v17  }
0x67: {  	[tilespmem:s19+$0x31F0] =	vst v16  }
0x68: {  	[tilespmem:s19+$0x31E0] =	vst v15  }
0x69: {  	[tilespmem:s19+$0x31D0] =	vst v14  }
0x6a: {  	[tilespmem:s19+$0x31C0] =	vst v13  }
0x6b: {  	s22 =	simm.s32 $0x20;
	s20 =	simm.s32 $0x10;
	[tilespmem:s19+$0x31B0] =	vst v12  }
0x6c: {  	s18 =	simm.s32 $0x20;
	s24 =	simm.s32 $0x200;
	s17 =	simm.s32 $0x30;
	[tilespmem:s19+$0x31A0] =	vst v11  }
0x6d: {  	v26 =	vimm.s32 $0x1000;
	s25 =	simm.s32 $0x0;
	s21 =	simm.s32 $0x20;
	s23 =	simm.s32 $0x0;
	v25 =	vimm.s32 $0x1000;
	[tilespmem:s19+$0x3190] =	vst v10  }
.LBB2_2:
0x6e: {  	p0 =	sne.s32 s24, $0x7E00  }
0x6f: {  	[tilespmem:s19+$0x3180] =	vst v9;
	s25 =	sadd.s32 $0x40, s25;
	s22 =	sadd.s32 $0x40, s22;
	s26 =	smov.u32 s24  }
0x70: {  	s24 =	sadd.s32 $0x200, s24;
	s28 =	sadd.s32 $0x10, s25;
	s29 =	sadd.s32 $0x20, s25;
	[tilespmem:s19+$0x11F0] =	vst v8  }
0x71: {  	s30 =	sadd.s32 $0x30, s25;
	[tilespmem:s19+$0x11E0] =	vst v7  }
0x72: {  	[tilespmem:s19+$0x11D0] =	vst v6  }
0x73: {  	[tilespmem:s19+$0x11C0] =	vst v5  }
0x74: {  	[tilespmem:s19+$0x11B0] =	vst v4  }
0x75: {  	[tilespmem:s19+$0x11A0] =	vst v3  }
0x76: {  	[tilespmem:s19+$0x1180] =	vst v1  }
0x77: {  	[tilespmem:s19+$0x1190] =	vst v2  }
0x78: {  	v27 =	vld [tilespmem:s21+$0xFFFFFFE0]  }
0x79: {  	v28 =	vld [tilespmem:s21+$0xFFFFFFF0]  }
0x7a: {  	v29 =	vld [tilespmem:s21+$0x0]  }
0x7b: {  	s19 =	sshra.s32 s26, $0x2;
	v30 =	vld [tilespmem:s21+$0x10];
	s21 =	smov.u32 s22  }
0x7c: {  	v31 =	vor.u32 s20, v0;
	v32 =	vor.u32 s18, v0;
	v33 =	vor.u32 s17, v0;
	s20 =	smov.u32 s28;
	s18 =	smov.u32 s29;
	s17 =	smov.u32 s30;
	[tilespmem:s19+$0x51F0] =	vst v20  }
0x7d: {  	v34 =	vor.u32 s23, v0;
	s23 =	smov.u32 s25;
	[tilespmem:s19+$0x51E0] =	vst v21;
	vm0 =	veq.s32 v27, $0x4;
	vm1 =	veq.s32 v27, $0x2  }
0x7e: {  	[tilespmem:s19+$0x51D0] =	vst v22;
	v27 =	vnsel vm0, $0x1000, v34;
	v34 =	vnsel vm1, $0x1000, v34;
	vm0 =	veq.s32 v28, $0x2  }
0x7f: {  	[tilespmem:s19+$0x51C0] =	vst v23;
	vm1 =	vlt.s32 v26, v27;
	vm2 =	vlt.s32 v25, v34;
	vm3 =	veq.s32 v29, $0x4  }
0x80: {  	[tilespmem:s19+$0x51B0] =	vst v24;
	v26 =	vsel vm1, v26, v27;
	v25 =	vsel vm2, v25, v34;
	vm1 =	veq.s32 v28, $0x4  }
0x81: {  	v28 =	vnsel vm0, $0x1000, v31;
	vm0 =	veq.s32 v29, $0x2;
	[tilespmem:s19+$0x51A0] =	vst v19;
	v27 =	vnsel vm1, $0x1000, v31  }
0x82: {  	vm2 =	vlt.s32 v25, v28;
	v29 =	vnsel vm0, $0x1000, v32;
	[tilespmem:s19+$0x5190] =	vst v18;
	vm1 =	vlt.s32 v26, v27  }
0x83: {  	v25 =	vsel vm2, v25, v28;
	[tilespmem:s19+$0x5180] =	vst v17;
	v26 =	vsel vm1, v26, v27;
	v27 =	vnsel vm3, $0x1000, v32  }
0x84: {  	vm2 =	veq.s32 v30, $0x4;
	vm1 =	vlt.s32 v25, v29;
	[tilespmem:s19+$0x31F0] =	vst v16;
	vm0 =	vlt.s32 v26, v27  }
0x85: {  	v25 =	vsel vm1, v25, v29;
	[tilespmem:s19+$0x31E0] =	vst v15;
	v26 =	vsel vm0, v26, v27;
	v27 =	vnsel vm2, $0x1000, v33  }
.Ltmp2:
0x86: {  	vm1 =	veq.s32 v30, $0x2;
	[tilespmem:s19+$0x31D0] =	vst v14;
	vm0 =	vlt.s32 v26, v27;
	(pc) =	sbr.rel @p0 .LBB2_2-.Ltmp2, $4  }
0x87: {  	[tilespmem:s19+$0x31C0] =	vst v13;
	v26 =	vsel vm0, v26, v27;
	v27 =	vnsel vm1, $0x1000, v33  }
0x88: {  	[tilespmem:s19+$0x31B0] =	vst v12;
	vm0 =	vlt.s32 v25, v27  }
0x89: {  	[tilespmem:s19+$0x31A0] =	vst v11;
	v25 =	vsel vm0, v25, v27  }
0x8a: {  	[tilespmem:s19+$0x3190] =	vst v10  }
0x8b: {  	[tilespmem:s19+$0x3180] =	vst v9  }
0x8c: {  	[tilespmem:s19+$0x11F0] =	vst v8  }
0x8d: {  	[tilespmem:s19+$0x11E0] =	vst v7  }
0x8e: {  	[tilespmem:s19+$0x11D0] =	vst v6  }
0x8f: {  	[tilespmem:s19+$0x11C0] =	vst v5  }
0x90: {  	[tilespmem:s19+$0x11B0] =	vst v4  }
0x91: {  	[tilespmem:s19+$0x11A0] =	vst v3  }
0x92: {  	[tilespmem:s19+$0x1180] =	vst v1  }
0x93: {  	[tilespmem:s19+$0x1190] =	vst v2  }
0x94: {  	v1 =	vld [tilespmem:s21+$0xFFFFFFE0];
	_ =	sdelay $0x1  }
0x95: {  	v2 =	vld [tilespmem:s21+$0xFFFFFFF0];
	_ =	sdelay $0x1  }
0x96: {  	v3 =	vld [tilespmem:s21+$0x0]  }
0x97: {  	v55 =	vor.u32 s23, v0;
	vm0 =	veq.s32 v1, $0x4  }
0x98: {  	v5 =	vld [tilespmem:s21+$0x10];
	v56 =	vnsel vm0, $0x1000, v55  }
0x99: {  	v57 =	vor.u32 s20, v0;
	vm1 =	veq.s32 v2, $0x4;
	vm0 =	vlt.s32 v26, v56  }
0x9a: {  	v58 =	vnsel vm1, $0x1000, v57;
	v6 =	vsel vm0, v26, v56  }
0x9b: {  	v59 =	vor.u32 s18, v0;
	vm9 =	veq.s32 v3, $0x4;
	vm1 =	vlt.s32 v6, v58  }
0x9c: {  	v60 =	vnsel vm9, $0x1000, v59;
	v6 =	vsel vm1, v6, v58  }
0x9d: {  	v10 =	vor.u32 s17, v0;
	vm10 =	veq.s32 v5, $0x4;
	vm0 =	vlt.s32 v6, v60  }
0x9e: {  	vm11 =	veq.s32 v1, $0x2;
	v61 =	vnsel vm10, $0x1000, v10;
	v6 =	vsel vm0, v6, v60  }
0x9f: {  	v1 =	vnsel vm11, $0x1000, v55;
	vm1 =	vlt.s32 v6, v61  }
0xa0: {  	vm12 =	veq.s32 v2, $0x2;
	vm13 =	vlt.s32 v25, v1;
	v62 =	vsel vm1, v6, v61  }
0xa1: {  	v63 =	vnsel vm12, $0x1000, v57;
	v1 =	vsel vm13, v25, v1;
	v2 =	vxor.u32 $0x80000000, v62  }
0xa2: {  	vm14 =	veq.s32 v3, $0x2;
	vm1 =	vlt.s32 v1, v63;
	(xrf0) =	vmin.scan.msk.u32 $0xffff, v2  }
0xa3: {  	v1 =	vsel vm1, v1, v63;
	v2 =	vnsel vm14, $0x1000, v59  }
0xa4: {  	vm15 =	veq.s32 v5, $0x2;
	vm0 =	vlt.s32 v1, v2  }
0xa5: {  	v1 =	vsel vm0, v1, v2;
	v2 =	vnsel vm15, $0x1000, v10;
	_ =	sdelay $0x1  }
0xa6: {  	vm0 =	vlt.s32 v1, v2  }
0xa7: {  	v1 =	vsel vm0, v1, v2;
	v2, _, _ =	vpop (xrf0)  }
0xa8: {  	(v2sf) =	vpush v2, $0xF;
	_ =	sdelay $0x3  }
0xa9: {  	v1 =	vxor.u32 $0x80000000, v1  }
0xaa: {  	(xrf0) =	vmin.scan.msk.u32 $0xffff, v1;
	_ =	sdelay $0x5  }
0xab: {  	v1, _, _ =	vpop (xrf0)  }
0xac: {  	(v2sf) =	vpush v1, $0xF;
	_ =	sdelay $0x2  }
0xad: {  	s31 =	spop (v2sf)  }
0xae: {  	s17 =	sxor.u32 $0x80000000, s31  }
0xaf: {  	s18 =	smov.u32 s7;
	p0 =	sgt.s32 s17, s7  }
0xb0: {  	s18 =	smov.u32 @p0 s17  }
0xb1: {  	s18 =	smin.u32 s18, s8  }
0xb2: {  	s19 =	ssub.s32 s18, s7  }
0xb3: {  	s20 =	sshra.s32 s19, $0x6  }
0xb4: {  	p0 =	slt.s32 s20, $0x1  }
.Ltmp3:
0xb5: {  	_ = 	snop;
	(pc) =	sbr.rel @p0 .LBB2_6-.Ltmp3, $2  }
0xb6: {  	_ =	sdelay $0x2  }
0xb7: {  	s17 =	spop (v2sf)  }
0xb8: {  	p0 =	sne.s32 s20, $0x1  }
.Ltmp4:
0xb9: {  	_ = 	snop;
	(pc) =	sbr.rel @!p0 .LBB2_6-.Ltmp4, $3  }
0xba: {  	_ =	sdelay $0x1  }
0xbb: {  	[hbm4b:s10+s4] =	stream.linear.scatter [tilespmem:s13], [sflag:$0x1], $0x2000, $0x38;
	[tilespmem:$0x7180] =	vst v63  }
0xbc: {  	s20 =	sadd.s32 $0xFFFFFFFF, s20;
	s21 =	smov.u32 s10  }
.LBB2_5:
0xbd: {  	p0 =	sne.s32 s20, $0x1  }
.Ltmp5:
0xbe: {  	_ = 	snop;
	(pc) =	sbr.rel @p0 .LBB2_5-.Ltmp5, $3  }
0xbf: {  	_ = 	snop  }
0xc0: {  	s20 =	sadd.s32 $0xFFFFFFFF, s20;
	s21 =	sadd.s32 $0x400, s21;
	_ =	sdelay $0x1  }
0xc1: {  	[hbm4b:s21+s4] =	stream.linear.scatter [tilespmem:s13], [sflag:$0x1], $0x2000, $0x38;
	[tilespmem:$0x7180] =	vst v63  }
.LBB2_6:
0xc2: {  	s20 =	sand.u32 $0x3F, s18  }
0xc3: {  	s19 =	ssub.s32 s19, s20;
	s20 =	sand.u32 $0x20, s18  }
0xc4: {  	s19 =	sadd.s32 s7, s19;
	p0 =	seq.s32 s20, $0x0  }
0xc5: {  	s21 =	sshll.u32 @!p0 s19, $0x7  }
0xc6: {  	s21 =	sadd.s32 @!p0 s5, s21  }
0xc7: {  	s26 =	sand.u32 $0x10, s18;
	s21 =	sshrl.u32 @!p0 s21, $0x3  }
0xc8: {  	s22 =	simm.s32 @!p0 $0x0;
	s23 =	simm.s32 @!p0 $0x3180;
	s21 =	sadd.s32 @!p0 s2, s21  }
0xc9: {  	[hbm4b:s21+s22] =	stream.linear.scatter @!p0 [tilespmem:s23], [sflag:$0x1], $0x1000, $0x38;
	[tilespmem:$0x7180] =	vst v63  }
0xca: {  	p0 =	seq.s32 s26, $0x0  }
0xcb: {  	s20 =	sadd.s32 @!p0 s20, s19  }
0xcc: {  	s20 =	sshll.u32 @!p0 s20, $0x7  }
0xcd: {  	s20 =	sadd.s32 @!p0 s5, s20  }
0xce: {  	s28 =	sand.u32 $0x8, s18;
	s20 =	sshrl.u32 @!p0 s20, $0x3  }
0xcf: {  	s21 =	simm.s32 @!p0 $0x0;
	s22 =	simm.s32 @!p0 $0x3180;
	s20 =	sadd.s32 @!p0 s2, s20  }
0xd0: {  	[hbm4b:s20+s21] =	stream.linear.scatter @!p0 [tilespmem:s22], [sflag:$0x1], $0x800, $0x38;
	[tilespmem:$0x7180] =	vst v63  }
0xd1: {  	s21 =	sand.u32 $0x30, s18;
	p0 =	seq.s32 s28, $0x0  }
0xd2: {  	s20 =	sadd.s32 @!p0 s21, s19  }
0xd3: {  	s20 =	sshll.u32 @!p0 s20, $0x7  }
0xd4: {  	s20 =	sadd.s32 @!p0 s5, s20  }
0xd5: {  	s29 =	sand.u32 $0x4, s18;
	s20 =	sshrl.u32 @!p0 s20, $0x3  }
0xd6: {  	s21 =	simm.s32 @!p0 $0x0;
	s22 =	simm.s32 @!p0 $0x3180;
	s20 =	sadd.s32 @!p0 s2, s20  }
0xd7: {  	[hbm4b:s20+s21] =	stream.linear.scatter @!p0 [tilespmem:s22], [sflag:$0x1], $0x400, $0x38;
	[tilespmem:$0x7180] =	vst v63  }
0xd8: {  	s21 =	sand.u32 $0x38, s18;
	p0 =	seq.s32 s29, $0x0  }
0xd9: {  	s20 =	sadd.s32 @!p0 s21, s19  }
0xda: {  	s20 =	sshll.u32 @!p0 s20, $0x7  }
0xdb: {  	s20 =	sadd.s32 @!p0 s5, s20  }
0xdc: {  	s30 =	sand.u32 $0x2, s18;
	s20 =	sshrl.u32 @!p0 s20, $0x3  }
0xdd: {  	s21 =	simm.s32 @!p0 $0x0;
	s22 =	simm.s32 @!p0 $0x3180;
	s20 =	sadd.s32 @!p0 s2, s20  }
0xde: {  	[hbm4b:s20+s21] =	stream.linear.scatter @!p0 [tilespmem:s22], [sflag:$0x1], $0x200, $0x38;
	[tilespmem:$0x7180] =	vst v63  }
0xdf: {  	s21 =	sand.u32 $0x3C, s18;
	p0 =	seq.s32 s30, $0x0  }
0xe0: {  	s20 =	sadd.s32 @!p0 s21, s19  }
0xe1: {  	s20 =	sshll.u32 @!p0 s20, $0x7  }
0xe2: {  	s20 =	sadd.s32 @!p0 s5, s20  }
0xe3: {  	s31 =	sand.u32 $0x1, s18;
	s20 =	sshrl.u32 @!p0 s20, $0x3  }
0xe4: {  	s21 =	simm.s32 @!p0 $0x0;
	s22 =	simm.s32 @!p0 $0x3180;
	s20 =	sadd.s32 @!p0 s2, s20  }
0xe5: {  	[hbm4b:s20+s21] =	stream.linear.scatter @!p0 [tilespmem:s22], [sflag:$0x1], $0x100, $0x38;
	[tilespmem:$0x7180] =	vst v63  }
0xe6: {  	s21 =	sand.u32 $0x3E, s18;
	p0 =	seq.s32 s31, $0x0  }
0xe7: {  	s19 =	sadd.s32 @!p0 s21, s19  }
0xe8: {  	s17 =	sxor.u32 $0x80000000, s17;
	s19 =	sshll.u32 @!p0 s19, $0x7  }
0xe9: {  	p1 =	sgt.s32 s17, s18;
	s20 =	smov.u32 s18;
	s19 =	sadd.s32 @!p0 s5, s19  }
0xea: {  	s20 =	smov.u32 @p1 s17;
	s21 =	simm.s32 @!p0 $0x3180;
	s19 =	sshrl.u32 @!p0 s19, $0x3  }
0xeb: {  	s17 =	smin.u32 s20, s8;
	s20 =	simm.s32 @!p0 $0x0;
	s19 =	sadd.s32 @!p0 s2, s19  }
0xec: {  	[hbm4b:s19+s20] =	stream.linear.scatter @!p0 [tilespmem:s21], [sflag:$0x1], $0x80, $0x38;
	[tilespmem:$0x7180] =	vst v63  }
0xed: {  	s19 =	ssub.s32 s17, s18  }
0xee: {  	s20 =	sshra.s32 s19, $0x6  }
0xef: {  	p0 =	slt.s32 s20, $0x1  }
.Ltmp6:
0xf0: {  	_ = 	snop;
	(pc) =	sbr.rel @p0 .LBB2_10-.Ltmp6, $1  }
0xf1: {  	_ =	sdelay $0x3  }
0xf2: {  	p0 =	sne.s32 s20, $0x1  }
.Ltmp7:
0xf3: {  	_ = 	snop;
	(pc) =	sbr.rel @!p0 .LBB2_9-.Ltmp7, $4  }
0xf4: {  	s21 =	sshll.u32 s18, $0x7  }
0xf5: {  	s21 =	sadd.s32 s21, s5  }
0xf6: {  	s22 =	sshrl.u32 s21, $0x3  }
0xf7: {  	s20 =	sadd.s32 $0xFFFFFFFF, s20;
	s21 =	sadd.s32 $0x2000, s21;
	s22 =	sadd.s32 s2, s22  }
.LBB2_8:
0xf8: {  	[hbm4b:s22+s4] =	stream.linear.scatter [tilespmem:s14], [sflag:$0x1], $0x2000, $0x38;
	[tilespmem:$0x7180] =	vst v63  }
0xf9: {  	p0 =	sne.s32 s20, $0x1  }
.Ltmp8:
0xfa: {  	s20 =	sadd.s32 $0xFFFFFFFF, s20;
	(pc) =	sbr.rel @p0 .LBB2_8-.Ltmp8, $3  }
0xfb: {  	_ =	sdelay $0x1  }
0xfc: {  	s22 =	sshrl.u32 s21, $0x3  }
0xfd: {  	s21 =	sadd.s32 $0x2000, s21;
	s22 =	sadd.s32 s2, s22  }
.LBB2_9:
0xfe: {  	[hbm4b:s22+s4] =	stream.linear.scatter [tilespmem:s14], [sflag:$0x1], $0x2000, $0x38;
	[tilespmem:$0x7180] =	vst v63  }
.LBB2_10:
0xff: {  	s20 =	sand.u32 $0xFFFFFFC0, s19;
	s21 =	sand.u32 $0x20, s19  }
0x100: {  	s18 =	sadd.s32 s18, s20;
	p0 =	seq.s32 s21, $0x0  }
0x101: {  	s20 =	sshll.u32 @!p0 s18, $0x7  }
0x102: {  	s20 =	sadd.s32 @!p0 s5, s20  }
0x103: {  	s26 =	sand.u32 $0x10, s19;
	s20 =	sshrl.u32 @!p0 s20, $0x3  }
0x104: {  	s22 =	simm.s32 @!p0 $0x0;
	s23 =	simm.s32 @!p0 $0x5180;
	s20 =	sadd.s32 @!p0 s2, s20  }
0x105: {  	[hbm4b:s20+s22] =	stream.linear.scatter @!p0 [tilespmem:s23], [sflag:$0x1], $0x1000, $0x38;
	[tilespmem:$0x7180] =	vst v63  }
0x106: {  	p0 =	seq.s32 s26, $0x0  }
0x107: {  	s20 =	sadd.s32 @!p0 s21, s18  }
0x108: {  	s20 =	sshll.u32 @!p0 s20, $0x7  }
0x109: {  	s20 =	sadd.s32 @!p0 s5, s20  }
0x10a: {  	s28 =	sand.u32 $0x8, s19;
	s20 =	sshrl.u32 @!p0 s20, $0x3  }
0x10b: {  	s21 =	simm.s32 @!p0 $0x0;
	s22 =	simm.s32 @!p0 $0x5180;
	s20 =	sadd.s32 @!p0 s2, s20  }
0x10c: {  	[hbm4b:s20+s21] =	stream.linear.scatter @!p0 [tilespmem:s22], [sflag:$0x1], $0x800, $0x38;
	[tilespmem:$0x7180] =	vst v63  }
0x10d: {  	s21 =	sand.u32 $0x30, s19;
	p0 =	seq.s32 s28, $0x0  }
0x10e: {  	s20 =	sadd.s32 @!p0 s21, s18  }
0x10f: {  	s20 =	sshll.u32 @!p0 s20, $0x7  }
0x110: {  	s20 =	sadd.s32 @!p0 s5, s20  }
0x111: {  	s29 =	sand.u32 $0x4, s19;
	s20 =	sshrl.u32 @!p0 s20, $0x3  }
0x112: {  	s21 =	simm.s32 @!p0 $0x0;
	s22 =	simm.s32 @!p0 $0x5180;
	s20 =	sadd.s32 @!p0 s2, s20  }
0x113: {  	[hbm4b:s20+s21] =	stream.linear.scatter @!p0 [tilespmem:s22], [sflag:$0x1], $0x400, $0x38;
	[tilespmem:$0x7180] =	vst v63  }
0x114: {  	s21 =	sand.u32 $0x38, s19;
	p0 =	seq.s32 s29, $0x0  }
0x115: {  	s20 =	sadd.s32 @!p0 s21, s18  }
0x116: {  	s20 =	sshll.u32 @!p0 s20, $0x7  }
0x117: {  	s20 =	sadd.s32 @!p0 s5, s20  }
0x118: {  	s30 =	sand.u32 $0x2, s19;
	s20 =	sshrl.u32 @!p0 s20, $0x3  }
0x119: {  	s21 =	simm.s32 @!p0 $0x0;
	s22 =	simm.s32 @!p0 $0x5180;
	s20 =	sadd.s32 @!p0 s2, s20  }
0x11a: {  	[hbm4b:s20+s21] =	stream.linear.scatter @!p0 [tilespmem:s22], [sflag:$0x1], $0x200, $0x38;
	[tilespmem:$0x7180] =	vst v63  }
0x11b: {  	s21 =	sand.u32 $0x3C, s19;
	p0 =	seq.s32 s30, $0x0  }
0x11c: {  	s20 =	sadd.s32 @!p0 s21, s18  }
0x11d: {  	s20 =	sshll.u32 @!p0 s20, $0x7  }
0x11e: {  	s20 =	sadd.s32 @!p0 s5, s20  }
0x11f: {  	s31 =	sand.u32 $0x1, s19;
	s20 =	sshrl.u32 @!p0 s20, $0x3  }
0x120: {  	s21 =	simm.s32 @!p0 $0x0;
	s22 =	simm.s32 @!p0 $0x5180;
	s20 =	sadd.s32 @!p0 s2, s20  }
0x121: {  	[hbm4b:s20+s21] =	stream.linear.scatter @!p0 [tilespmem:s22], [sflag:$0x1], $0x100, $0x38;
	[tilespmem:$0x7180] =	vst v63  }
0x122: {  	s19 =	sand.u32 $0x3E, s19;
	p0 =	seq.s32 s31, $0x0  }
0x123: {  	s18 =	sadd.s32 @!p0 s19, s18  }
0x124: {  	s18 =	sshll.u32 @!p0 s18, $0x7  }
0x125: {  	s18 =	sadd.s32 @!p0 s5, s18  }
0x126: {  	s18 =	sshrl.u32 @!p0 s18, $0x3  }
0x127: {  	s19 =	simm.s32 @!p0 $0x0;
	s20 =	simm.s32 @!p0 $0x5180;
	s18 =	sadd.s32 @!p0 s2, s18  }
0x128: {  	[hbm4b:s18+s19] =	stream.linear.scatter @!p0 [tilespmem:s20], [sflag:$0x1], $0x80, $0x38;
	[tilespmem:$0x7180] =	vst v63  }
0x129: {  	s18 =	ssub.s32 s8, s17  }
0x12a: {  	s19 =	sshrl.u32 s18, $0x6  }
0x12b: {  	p0 =	seq.s32 s19, $0x0  }
.Ltmp9:
0x12c: {  	_ = 	snop;
	(pc) =	sbr.rel @p0 .LBB2_14-.Ltmp9, $1  }
0x12d: {  	_ =	sdelay $0x3  }
0x12e: {  	s19 =	ssub.s32 $0x0, s19  }
0x12f: {  	s19 =	sadd.s32 $0x1, s19  }
0x130: {  	p0 =	seq.s32 s19, $0x0  }
.Ltmp10:
0x131: {  	_ = 	snop;
	(pc) =	sbr.rel @p0 .LBB2_13-.Ltmp10, $4  }
0x132: {  	s20 =	sshll.u32 s17, $0x7  }
0x133: {  	s20 =	sadd.s32 s20, s5  }
0x134: {  	s21 =	sshrl.u32 s20, $0x3  }
0x135: {  	s20 =	sadd.s32 $0x2000, s20;
	s21 =	sadd.s32 s2, s21  }
.LBB2_12:
0x136: {  	[hbm4b:s21+s4] =	stream.linear.scatter [tilespmem:s15], [sflag:$0x1], $0x2000, $0x38;
	[tilespmem:$0x7180] =	vst v63  }
0x137: {  	s19 =	sadd.s32 $0x1, s19  }
0x138: {  	p0 =	seq.s32 s19, $0x0  }
.Ltmp11:
0x139: {  	(pc) =	sbr.rel @!p0 .LBB2_12-.Ltmp11, $3  }
0x13a: {  	_ =	sdelay $0x1  }
0x13b: {  	s21 =	sshrl.u32 s20, $0x3  }
0x13c: {  	s20 =	sadd.s32 $0x2000, s20;
	s21 =	sadd.s32 s2, s21  }
.Ltmp12:
0x13d: {  	_ = 	snop;
	(pc) =	sbr.rel .LBB2_13-.Ltmp12, $1  }
0x13e: {  	_ =	sdelay $0x3  }
.LBB2_15:
0x13f: {  	_ =	sfence.sel $0x180000  }
0x140: {  	[bflag:$0x0] =	sbarrier.arrive $0xFFFF  }
0x141: {  	p0 =	sne.s32 s3, $0x0;
	_ =	strace $0x90000047  }
0x142: {  	s0 =	sadd.s32 @!p0 $0x100000, s0;
	[bflag:$0x2] =	sbarrier.arrive $0xFFFF  }
0x143: {  	[sflag:s0] =	ssyncadd.tile.s32 @!p0 $0x1;
	_ =	shalt  }
.Lfunc_end2:
_tile_overlayer_lowered:
.L_overlay_start_2:
0x144: {  	(tag) =	ssettag $0x2  }
0x145: {  	s0 =	rddreg [dreg:$0x0];
	s2 =	stileid.u32  }
0x146: {  	s1 =	rddreg [dreg:$0x1];
	p0 =	sne.s32 s2, $0x0  }
0x147: {  	s3 =	rddreg [dreg:$0x2];
	[bflag:$0x3] =	sbarrier.arrive $0xFFFF;
	s2 =	simm.s32 @!p0 $0x1C02  }
0x148: {  	[timem:s3], [sflag:s2] =	dma.local @!p0 [hbm:s0], s1  }
0x149: {  	s0 =	simm.s32 @!p0 $0x2  }
0x14a: {  	_ =	swait.ge @!p0 [sflag:s0], s1  }
0x14b: {  	s1 =	ssub.s32 @!p0 $0x0, s1;
	[sflag:s0] =	ssyncset.done @!p0 $0x0  }
0x14c: {  	[sflag:s0] =	ssyncadd.s32 @!p0 s1  }
0x14d: {  	[bflag:$0x3] =	sbarrier.arrive $0xFFFF  }
0x14e: {  	_ =	shalt  }

</sc_bundles>
